<compile_context>
chip_gen: v7x
topology: tpu7x:2x2x1
jax: 0.10.2.dev20260603
libtpu: 0.0.44.dev20260713+nightly
codegen_flags: <defaults>
</compile_context>

<pallas_src>
import jax
import jax.numpy as jnp
from jax import lax
from jax.experimental import pallas as pl
from jax.experimental.pallas import tpu as pltpu
from jax.experimental.pallas import tpu_sc as plsc

NC = 2
NS = 16
NW = NC * NS

BLK = 256
CHUNK = 64


def _dispatch_body(x_hbm, tok_pad_hbm, xs_hbm, i_v, rowsA_v, rowsB_v,
                   sem, isem):
    c = lax.axis_index("c")
    s = lax.axis_index("s")
    wid = s * NC + c
    pad_total = tok_pad_hbm.shape[0]
    per_w = pad_total // NW
    base = wid * per_w
    pltpu.sync_copy(tok_pad_hbm.at[pl.ds(base, per_w)], i_v)
    prev = None
    for ch in range(per_w // CHUNK):
        buf = rowsA_v if ch % 2 == 0 else rowsB_v
        g = pltpu.async_copy(
            x_hbm.at[i_v.at[pl.ds(ch * CHUNK, CHUNK)]], buf, sem)
        g.wait()
        if prev is not None:
            prev.wait()
        prev = pltpu.async_copy(
            buf, xs_hbm.at[pl.ds(base + ch * CHUNK, CHUNK)], isem)
    prev.wait()


def _combine_body(y_hbm, inv0_hbm, inv1_hbm, z0_hbm, z1_hbm,
                  i0_v, i1_v, rows0_v, rows1_v, sem, isem):
    c = lax.axis_index("c")
    s = lax.axis_index("s")
    wid = s * NC + c
    n_tokens = inv0_hbm.shape[0]
    per_w = n_tokens // NW
    base = wid * per_w
    li0 = pltpu.async_copy(inv0_hbm.at[pl.ds(base, per_w)], i0_v, isem)
    li1 = pltpu.async_copy(inv1_hbm.at[pl.ds(base, per_w)], i1_v, isem)
    li0.wait()
    li1.wait()
    g0a = pltpu.async_copy(y_hbm.at[i0_v.at[pl.ds(0, CHUNK)]], rows0_v, sem)
    g0b = pltpu.async_copy(y_hbm.at[i0_v.at[pl.ds(CHUNK, CHUNK)]], rows1_v, sem)
    g0a.wait()
    s0a = pltpu.async_copy(rows0_v, z0_hbm.at[pl.ds(base, CHUNK)], isem)
    g0b.wait()
    s0b = pltpu.async_copy(rows1_v, z0_hbm.at[pl.ds(base + CHUNK, CHUNK)], isem)
    s0a.wait()
    g1a = pltpu.async_copy(y_hbm.at[i1_v.at[pl.ds(0, CHUNK)]], rows0_v, sem)
    s0b.wait()
    g1b = pltpu.async_copy(y_hbm.at[i1_v.at[pl.ds(CHUNK, CHUNK)]], rows1_v, sem)
    g1a.wait()
    s1a = pltpu.async_copy(rows0_v, z1_hbm.at[pl.ds(base, CHUNK)], isem)
    g1b.wait()
    s1b = pltpu.async_copy(rows1_v, z1_hbm.at[pl.ds(base + CHUNK, CHUNK)], isem)
    s1a.wait()
    s1b.wait()


def _gmm_body(map_ref, xs_ref, w_ref, b_ref, g_ref, y_ref):
    e = map_ref[pl.program_id(0)]
    x = xs_ref[...].astype(jnp.bfloat16)
    y = jnp.dot(x, w_ref[e], preferred_element_type=jnp.float32)
    g = g_ref[0].reshape(-1, 1)
    y_ref[...] = (y + b_ref[e]) * g


def _pair_add_body(z0_ref, z1_ref, out_ref):
    out_ref[...] = z0_ref[...] + z1_ref[...]


def kernel(input_batch, probabilities, indices, W, b):
    n_tokens, d_model = input_batch.shape
    n_experts, _, d_out = W.shape
    top_k = indices.shape[1]
    n_slots = n_tokens * top_k
    pad_total = n_slots + n_experts * BLK
    nb = pad_total // BLK
    i32 = jnp.int32
    f32 = jnp.float32
    bf16 = jnp.bfloat16

    e_flat = indices.astype(i32).reshape(-1)
    onehot = (e_flat[:, None] == jnp.arange(n_experts, dtype=i32)).astype(i32)
    csum = jnp.cumsum(onehot, axis=0)
    counts = csum[-1]
    rank = jnp.take_along_axis(csum, e_flat[:, None], axis=1)[:, 0] - 1
    padded = ((counts + BLK - 1) // BLK) * BLK
    pstart = jnp.concatenate(
        [jnp.zeros((1,), i32), jnp.cumsum(padded)[:-1].astype(i32)])
    dest = pstart[e_flat] + rank
    dest0 = dest[0::2]
    dest1 = dest[1::2]
    block_e = jnp.clip(
        jnp.searchsorted(pstart, jnp.arange(nb, dtype=i32) * BLK,
                         side="right") - 1,
        0, n_experts - 1).astype(i32)
    tok_flat = jnp.arange(n_slots, dtype=i32) // top_k
    gate_flat = probabilities.astype(f32).reshape(-1)
    tok_pad = jnp.zeros((pad_total,), i32).at[dest].set(tok_flat)
    gpad = jnp.zeros((pad_total,), f32).at[dest].set(gate_flat)
    w_bf = W.astype(bf16)

    mesh = plsc.VectorSubcoreMesh(core_axis_name="c", subcore_axis_name="s")

    xs = pl.kernel(
        _dispatch_body,
        out_type=jax.ShapeDtypeStruct((pad_total, d_model), f32),
        mesh=mesh,
        scratch_types=[
            pltpu.VMEM((pad_total // NW,), i32),
            pltpu.VMEM((CHUNK, d_model), f32),
            pltpu.VMEM((CHUNK, d_model), f32),
            pltpu.SemaphoreType.DMA,
            pltpu.SemaphoreType.DMA,
        ],
    )(input_batch, tok_pad)

    grid_spec = pltpu.PrefetchScalarGridSpec(
        num_scalar_prefetch=1,
        grid=(nb,),
        in_specs=[
            pl.BlockSpec((BLK, d_model), lambda i, m: (i, 0)),
            pl.BlockSpec((n_experts, d_model, d_out), lambda i, m: (0, 0, 0)),
            pl.BlockSpec((n_experts, 1, d_out), lambda i, m: (0, 0, 0)),
            pl.BlockSpec((1, 1, BLK), lambda i, m: (i, 0, 0)),
        ],
        out_specs=pl.BlockSpec((BLK, d_out), lambda i, m: (i, 0)),
    )
    y_sorted = pl.pallas_call(
        _gmm_body,
        grid_spec=grid_spec,
        out_shape=jax.ShapeDtypeStruct((pad_total, d_out), f32),
    )(block_e, xs, w_bf, b.reshape(n_experts, 1, d_out),
      gpad.reshape(nb, 1, BLK))

    z0, z1 = pl.kernel(
        _combine_body,
        out_type=(jax.ShapeDtypeStruct((n_tokens, d_out), f32),
                  jax.ShapeDtypeStruct((n_tokens, d_out), f32)),
        mesh=mesh,
        scratch_types=[
            pltpu.VMEM((n_tokens // NW,), i32),
            pltpu.VMEM((n_tokens // NW,), i32),
            pltpu.VMEM((CHUNK, d_out), f32),
            pltpu.VMEM((CHUNK, d_out), f32),
            pltpu.SemaphoreType.DMA,
            pltpu.SemaphoreType.DMA,
        ],
    )(y_sorted, dest0, dest1)

    tb = 512
    out = pl.pallas_call(
        _pair_add_body,
        grid=(n_tokens // tb,),
        in_specs=[pl.BlockSpec((tb, d_out), lambda t: (t, 0)),
                  pl.BlockSpec((tb, d_out), lambda t: (t, 0))],
        out_specs=pl.BlockSpec((tb, d_out), lambda t: (t, 0)),
        out_shape=jax.ShapeDtypeStruct((n_tokens, d_out), f32),
    )(z0, z1)

    total_loss = jnp.asarray(0.0, dtype=f32)
    return (out, total_loss)

# --- scband reference (transcript-rebuilt; emitter-appended) ---
"""Pipeline reference for scband-mixture-of-experts-31069793419585 (READ-ONLY COPY).

The authoritative reference and input builder live on the scoring server;
editing this copy changes nothing except your own understanding.
"""

import jax, jax.numpy as jnp
import numpy as np

NUM_TOKENS = 4096
D_MODEL = 768
D_OUT = 768
NUM_EXPERTS = 8
TOP_K = 2


def setup_inputs(seed: int = 0) -> dict:
    key = jax.random.key(seed)
    k1, k2, k3, k4, k5 = jax.random.split(key, 5)
    input_batch = jax.random.normal(k1, (NUM_TOKENS, D_MODEL), dtype=jnp.float32)
    # external router probabilities for the top_k selected experts (normalized like a softmax over top-k)
    raw = jax.random.uniform(k2, (NUM_TOKENS, TOP_K), dtype=jnp.float32, minval=1e-3, maxval=1.0)
    probabilities = raw / jnp.sum(raw, axis=-1, keepdims=True)
    # external top_k expert indices per token
    indices = jax.random.randint(k3, (NUM_TOKENS, TOP_K), 0, NUM_EXPERTS).astype(jnp.int64)
    # expert parameters: each expert is a linear layer stack input_dim -> output_dim
    W = jax.random.normal(k4, (NUM_EXPERTS, D_MODEL, D_OUT), dtype=jnp.float32) * 0.02
    b = jnp.zeros((NUM_EXPERTS, D_OUT), dtype=jnp.float32)
    return {"input_batch": input_batch, "probabilities": probabilities, "indices": indices, "W": W, "b": b}


def reference(input_batch, probabilities, indices, W, b):
    # MixtureOfExperts.forward with externally supplied (probabilities, indices):
    # sampler_loss = 0; tokens are split per expert, each expert's linear stack is applied,
    # outputs are weighted by the routing probabilities and scattered back (expert mixture).
    num_experts = W.shape[0]
    num_tokens = input_batch.shape[0]
    output = jnp.zeros((num_tokens, W.shape[2]), dtype=input_batch.dtype)
    for expert_index in range(num_experts):
        # _get_expert_token_indices / _split_tokens_per_expert: tokens whose top-k indices hit this expert
        hit = (indices == expert_index)  # [N, top_k] bool
        # maybe_get_expert_probabilities: gate weight for this expert per token (0 if not routed)
        gate = jnp.sum(jnp.where(hit, probabilities, 0.0), axis=-1)  # [N]
        # expert forward (linear layer stack)
        expert_out = input_batch @ W[expert_index] + b[expert_index]  # [N, D_OUT]
        # __compute_expert_mixture: scatter weighted expert outputs back into token order
        output = output + gate[:, None] * expert_out
    total_loss = jnp.asarray(0.0, dtype=jnp.float32)  # sampler_loss + expert_loss == 0 with external routing
    return (output, total_loss)

if __name__ == "__main__":
    import jax
    _d = setup_inputs()
    print(jax.jit(kernel)(*tuple(_d.values())))

</pallas_src>

<mosaic_0001>
#map = affine_map<(d0, d1) -> (0, 0)>
#map1 = affine_map<(d0, d1) -> (0)>
module attributes {stable_mosaic.version = 14 : i64} {
  func.func @_dispatch_body(%arg0: i32, %arg1: i32, %arg2: memref<4096x768xf32, #tpu.memory_space<hbm>>, %arg3: memref<10240xi32, #tpu.memory_space<hbm>>, %arg4: memref<10240x768xf32, #tpu.memory_space<hbm>>, %arg5: memref<320xi32, #tpu.memory_space<vmem>>, %arg6: memref<64x768xf32, #tpu.memory_space<vmem>>, %arg7: memref<64x768xf32, #tpu.memory_space<vmem>>, %arg8: memref<!tpu.dma_semaphore, #tpu.memory_space<semaphore_mem>>, %arg9: memref<!tpu.dma_semaphore, #tpu.memory_space<semaphore_mem>>) attributes {dimension_semantics = [#tpu.dimension_semantics<core_parallel>, #tpu.dimension_semantics<subcore_parallel>], iteration_bounds = array<i64: 2, 16>, scalar_prefetch = 0 : i64, scratch_operands = 5 : i64, tpu.core_type = #tpu.core_type<sc_vector_subcore>, window_params = [{transform_indices = #map}, {transform_indices = #map1}, {transform_indices = #map}]} {
    %mul3A = arith.constant 2 : i32
    %mul3A_0 = arith.muli %arg1, %mul3A : i32
    %add3A = arith.addi %mul3A_0, %arg0 : i32
    %mul3A_1 = arith.constant 320 : i32
    %mul3A_2 = arith.muli %add3A, %mul3A_1 : i32
    "tpu.region"() ({
      %run_scoped3A = tpu.sem_alloc : memref<!tpu.dma_semaphore, #tpu.memory_space<semaphore_mem>>
      %dma_start3A_101 = tpu.memref_slice %arg3[%mul3A_2] : memref<10240xi32, #tpu.memory_space<hbm>> -> memref<320xi32, #tpu.memory_space<hbm>>
      %dma_start3A_102 = tpu.memref_slice %arg3[%mul3A_2] : memref<10240xi32, #tpu.memory_space<hbm>> -> memref<320xi32, #tpu.memory_space<hbm>>
      tpu.enqueue_dma source(%dma_start3A_102 : memref<320xi32, #tpu.memory_space<hbm>>) target(%arg5 : memref<320xi32, #tpu.memory_space<vmem>>) target_semaphore(%run_scoped3A : memref<!tpu.dma_semaphore, #tpu.memory_space<semaphore_mem>>)
      %dma_wait3A_103 = tpu.memref_slice %arg3[%mul3A_2] : memref<10240xi32, #tpu.memory_space<hbm>> -> memref<320xi32, #tpu.memory_space<hbm>>
      %dma_wait3A_104 = tpu.memref_slice %arg3[%mul3A_2] : memref<10240xi32, #tpu.memory_space<hbm>> -> memref<320xi32, #tpu.memory_space<hbm>>
      tpu.wait_dma2 semaphore(%run_scoped3A : memref<!tpu.dma_semaphore, #tpu.memory_space<semaphore_mem>>) src(%dma_wait3A_104 : memref<320xi32, #tpu.memory_space<hbm>>) dst(%arg5 : memref<320xi32, #tpu.memory_space<vmem>>)
      tpu.yield
    }) : () -> ()
    %dma_start3A = arith.constant 0 : i32
    %dma_start3A_3 = tpu.memref_slice %arg5[%dma_start3A] : memref<320xi32, #tpu.memory_space<vmem>> -> memref<64xi32, #tpu.memory_space<vmem>>
    %dma_start3A_4 = arith.constant 0 : i32
    %dma_start3A_5 = arith.constant 0 : i32
    %dma_start3A_6 = tpu.memref_slice %arg2[%dma_start3A_4, %dma_start3A_5] : memref<4096x768xf32, #tpu.memory_space<hbm>> -> memref<4096x768xf32, #tpu.memory_space<hbm>>
    tpu.enqueue_indirect_dma source(%dma_start3A_6 : memref<4096x768xf32, #tpu.memory_space<hbm>>) target(%arg6 : memref<64x768xf32, #tpu.memory_space<vmem>>) offsets(%dma_start3A_3 : memref<64xi32, #tpu.memory_space<vmem>>) semaphore(%arg8 : memref<!tpu.dma_semaphore, #tpu.memory_space<semaphore_mem>>)
    %dma_wait3A = arith.constant 0 : i32
    %dma_wait3A_7 = tpu.memref_slice %arg5[%dma_wait3A] : memref<320xi32, #tpu.memory_space<vmem>> -> memref<64xi32, #tpu.memory_space<vmem>>
    %dma_wait3A_8 = arith.constant 0 : i32
    %dma_wait3A_9 = arith.constant 0 : i32
    %dma_wait3A_10 = tpu.memref_slice %arg2[%dma_wait3A_8, %dma_wait3A_9] : memref<4096x768xf32, #tpu.memory_space<hbm>> -> memref<4096x768xf32, #tpu.memory_space<hbm>>
    tpu.wait_indirect_dma semaphore(%arg8 : memref<!tpu.dma_semaphore, #tpu.memory_space<semaphore_mem>>) src(%dma_wait3A_10 : memref<4096x768xf32, #tpu.memory_space<hbm>>) dst(%arg6 : memref<64x768xf32, #tpu.memory_space<vmem>>)
    %add3A_11 = arith.constant 0 : i32
    %add3A_12 = arith.addi %mul3A_2, %add3A_11 : i32
    %dma_start3A_13 = arith.constant 0 : i32
    %dma_start3A_14 = tpu.memref_slice %arg4[%add3A_12, %dma_start3A_13] : memref<10240x768xf32, #tpu.memory_space<hbm>> -> memref<64x768xf32, #tpu.memory_space<hbm>>
    %dma_start3A_15 = arith.constant 0 : i32
    %dma_start3A_16 = tpu.memref_slice %arg4[%add3A_12, %dma_start3A_15] : memref<10240x768xf32, #tpu.memory_space<hbm>> -> memref<64x768xf32, #tpu.memory_space<hbm>>
    tpu.enqueue_dma source(%arg6 : memref<64x768xf32, #tpu.memory_space<vmem>>) target(%dma_start3A_16 : memref<64x768xf32, #tpu.memory_space<hbm>>) target_semaphore(%arg9 : memref<!tpu.dma_semaphore, #tpu.memory_space<semaphore_mem>>)
    %dma_start3A_17 = arith.constant 64 : i32
    %dma_start3A_18 = tpu.memref_slice %arg5[%dma_start3A_17] : memref<320xi32, #tpu.memory_space<vmem>> -> memref<64xi32, #tpu.memory_space<vmem>>
    %dma_start3A_19 = arith.constant 0 : i32
    %dma_start3A_20 = arith.constant 0 : i32
    %dma_start3A_21 = tpu.memref_slice %arg2[%dma_start3A_19, %dma_start3A_20] : memref<4096x768xf32, #tpu.memory_space<hbm>> -> memref<4096x768xf32, #tpu.memory_space<hbm>>
    tpu.enqueue_indirect_dma source(%dma_start3A_21 : memref<4096x768xf32, #tpu.memory_space<hbm>>) target(%arg7 : memref<64x768xf32, #tpu.memory_space<vmem>>) offsets(%dma_start3A_18 : memref<64xi32, #tpu.memory_space<vmem>>) semaphore(%arg8 : memref<!tpu.dma_semaphore, #tpu.memory_space<semaphore_mem>>)
    %dma_wait3A_22 = arith.constant 64 : i32
    %dma_wait3A_23 = tpu.memref_slice %arg5[%dma_wait3A_22] : memref<320xi32, #tpu.memory_space<vmem>> -> memref<64xi32, #tpu.memory_space<vmem>>
    %dma_wait3A_24 = arith.constant 0 : i32
    %dma_wait3A_25 = arith.constant 0 : i32
    %dma_wait3A_26 = tpu.memref_slice %arg2[%dma_wait3A_24, %dma_wait3A_25] : memref<4096x768xf32, #tpu.memory_space<hbm>> -> memref<4096x768xf32, #tpu.memory_space<hbm>>
    tpu.wait_indirect_dma semaphore(%arg8 : memref<!tpu.dma_semaphore, #tpu.memory_space<semaphore_mem>>) src(%dma_wait3A_26 : memref<4096x768xf32, #tpu.memory_space<hbm>>) dst(%arg7 : memref<64x768xf32, #tpu.memory_space<vmem>>)
    %dma_wait3A_27 = arith.constant 0 : i32
    %dma_wait3A_28 = tpu.memref_slice %arg4[%add3A_12, %dma_wait3A_27] : memref<10240x768xf32, #tpu.memory_space<hbm>> -> memref<64x768xf32, #tpu.memory_space<hbm>>
    %dma_wait3A_29 = arith.constant 0 : i32
    %dma_wait3A_30 = tpu.memref_slice %arg4[%add3A_12, %dma_wait3A_29] : memref<10240x768xf32, #tpu.memory_space<hbm>> -> memref<64x768xf32, #tpu.memory_space<hbm>>
    tpu.wait_dma2 semaphore(%arg9 : memref<!tpu.dma_semaphore, #tpu.memory_space<semaphore_mem>>) src(%arg6 : memref<64x768xf32, #tpu.memory_space<vmem>>) dst(%dma_wait3A_30 : memref<64x768xf32, #tpu.memory_space<hbm>>)
    %add3A_31 = arith.constant 64 : i32
    %add3A_32 = arith.addi %mul3A_2, %add3A_31 : i32
    %dma_start3A_33 = arith.constant 0 : i32
    %dma_start3A_34 = tpu.memref_slice %arg4[%add3A_32, %dma_start3A_33] : memref<10240x768xf32, #tpu.memory_space<hbm>> -> memref<64x768xf32, #tpu.memory_space<hbm>>
    %dma_start3A_35 = arith.constant 0 : i32
    %dma_start3A_36 = tpu.memref_slice %arg4[%add3A_32, %dma_start3A_35] : memref<10240x768xf32, #tpu.memory_space<hbm>> -> memref<64x768xf32, #tpu.memory_space<hbm>>
    tpu.enqueue_dma source(%arg7 : memref<64x768xf32, #tpu.memory_space<vmem>>) target(%dma_start3A_36 : memref<64x768xf32, #tpu.memory_space<hbm>>) target_semaphore(%arg9 : memref<!tpu.dma_semaphore, #tpu.memory_space<semaphore_mem>>)
    %dma_start3A_37 = arith.constant 128 : i32
    %dma_start3A_38 = tpu.memref_slice %arg5[%dma_start3A_37] : memref<320xi32, #tpu.memory_space<vmem>> -> memref<64xi32, #tpu.memory_space<vmem>>
    %dma_start3A_39 = arith.constant 0 : i32
    %dma_start3A_40 = arith.constant 0 : i32
    %dma_start3A_41 = tpu.memref_slice %arg2[%dma_start3A_39, %dma_start3A_40] : memref<4096x768xf32, #tpu.memory_space<hbm>> -> memref<4096x768xf32, #tpu.memory_space<hbm>>
    tpu.enqueue_indirect_dma source(%dma_start3A_41 : memref<4096x768xf32, #tpu.memory_space<hbm>>) target(%arg6 : memref<64x768xf32, #tpu.memory_space<vmem>>) offsets(%dma_start3A_38 : memref<64xi32, #tpu.memory_space<vmem>>) semaphore(%arg8 : memref<!tpu.dma_semaphore, #tpu.memory_space<semaphore_mem>>)
    %dma_wait3A_42 = arith.constant 128 : i32
    %dma_wait3A_43 = tpu.memref_slice %arg5[%dma_wait3A_42] : memref<320xi32, #tpu.memory_space<vmem>> -> memref<64xi32, #tpu.memory_space<vmem>>
    %dma_wait3A_44 = arith.constant 0 : i32
    %dma_wait3A_45 = arith.constant 0 : i32
    %dma_wait3A_46 = tpu.memref_slice %arg2[%dma_wait3A_44, %dma_wait3A_45] : memref<4096x768xf32, #tpu.memory_space<hbm>> -> memref<4096x768xf32, #tpu.memory_space<hbm>>
    tpu.wait_indirect_dma semaphore(%arg8 : memref<!tpu.dma_semaphore, #tpu.memory_space<semaphore_mem>>) src(%dma_wait3A_46 : memref<4096x768xf32, #tpu.memory_space<hbm>>) dst(%arg6 : memref<64x768xf32, #tpu.memory_space<vmem>>)
    %dma_wait3A_47 = arith.constant 0 : i32
    %dma_wait3A_48 = tpu.memref_slice %arg4[%add3A_32, %dma_wait3A_47] : memref<10240x768xf32, #tpu.memory_space<hbm>> -> memref<64x768xf32, #tpu.memory_space<hbm>>
    %dma_wait3A_49 = arith.constant 0 : i32
    %dma_wait3A_50 = tpu.memref_slice %arg4[%add3A_32, %dma_wait3A_49] : memref<10240x768xf32, #tpu.memory_space<hbm>> -> memref<64x768xf32, #tpu.memory_space<hbm>>
    tpu.wait_dma2 semaphore(%arg9 : memref<!tpu.dma_semaphore, #tpu.memory_space<semaphore_mem>>) src(%arg7 : memref<64x768xf32, #tpu.memory_space<vmem>>) dst(%dma_wait3A_50 : memref<64x768xf32, #tpu.memory_space<hbm>>)
    %add3A_51 = arith.constant 128 : i32
    %add3A_52 = arith.addi %mul3A_2, %add3A_51 : i32
    %dma_start3A_53 = arith.constant 0 : i32
    %dma_start3A_54 = tpu.memref_slice %arg4[%add3A_52, %dma_start3A_53] : memref<10240x768xf32, #tpu.memory_space<hbm>> -> memref<64x768xf32, #tpu.memory_space<hbm>>
    %dma_start3A_55 = arith.constant 0 : i32
    %dma_start3A_56 = tpu.memref_slice %arg4[%add3A_52, %dma_start3A_55] : memref<10240x768xf32, #tpu.memory_space<hbm>> -> memref<64x768xf32, #tpu.memory_space<hbm>>
    tpu.enqueue_dma source(%arg6 : memref<64x768xf32, #tpu.memory_space<vmem>>) target(%dma_start3A_56 : memref<64x768xf32, #tpu.memory_space<hbm>>) target_semaphore(%arg9 : memref<!tpu.dma_semaphore, #tpu.memory_space<semaphore_mem>>)
    %dma_start3A_57 = arith.constant 192 : i32
    %dma_start3A_58 = tpu.memref_slice %arg5[%dma_start3A_57] : memref<320xi32, #tpu.memory_space<vmem>> -> memref<64xi32, #tpu.memory_space<vmem>>
    %dma_start3A_59 = arith.constant 0 : i32
    %dma_start3A_60 = arith.constant 0 : i32
    %dma_start3A_61 = tpu.memref_slice %arg2[%dma_start3A_59, %dma_start3A_60] : memref<4096x768xf32, #tpu.memory_space<hbm>> -> memref<4096x768xf32, #tpu.memory_space<hbm>>
    tpu.enqueue_indirect_dma source(%dma_start3A_61 : memref<4096x768xf32, #tpu.memory_space<hbm>>) target(%arg7 : memref<64x768xf32, #tpu.memory_space<vmem>>) offsets(%dma_start3A_58 : memref<64xi32, #tpu.memory_space<vmem>>) semaphore(%arg8 : memref<!tpu.dma_semaphore, #tpu.memory_space<semaphore_mem>>)
    %dma_wait3A_62 = arith.constant 192 : i32
    %dma_wait3A_63 = tpu.memref_slice %arg5[%dma_wait3A_62] : memref<320xi32, #tpu.memory_space<vmem>> -> memref<64xi32, #tpu.memory_space<vmem>>
    %dma_wait3A_64 = arith.constant 0 : i32
    %dma_wait3A_65 = arith.constant 0 : i32
    %dma_wait3A_66 = tpu.memref_slice %arg2[%dma_wait3A_64, %dma_wait3A_65] : memref<4096x768xf32, #tpu.memory_space<hbm>> -> memref<4096x768xf32, #tpu.memory_space<hbm>>
    tpu.wait_indirect_dma semaphore(%arg8 : memref<!tpu.dma_semaphore, #tpu.memory_space<semaphore_mem>>) src(%dma_wait3A_66 : memref<4096x768xf32, #tpu.memory_space<hbm>>) dst(%arg7 : memref<64x768xf32, #tpu.memory_space<vmem>>)
    %dma_wait3A_67 = arith.constant 0 : i32
    %dma_wait3A_68 = tpu.memref_slice %arg4[%add3A_52, %dma_wait3A_67] : memref<10240x768xf32, #tpu.memory_space<hbm>> -> memref<64x768xf32, #tpu.memory_space<hbm>>
    %dma_wait3A_69 = arith.constant 0 : i32
    %dma_wait3A_70 = tpu.memref_slice %arg4[%add3A_52, %dma_wait3A_69] : memref<10240x768xf32, #tpu.memory_space<hbm>> -> memref<64x768xf32, #tpu.memory_space<hbm>>
    tpu.wait_dma2 semaphore(%arg9 : memref<!tpu.dma_semaphore, #tpu.memory_space<semaphore_mem>>) src(%arg6 : memref<64x768xf32, #tpu.memory_space<vmem>>) dst(%dma_wait3A_70 : memref<64x768xf32, #tpu.memory_space<hbm>>)
    %add3A_71 = arith.constant 192 : i32
    %add3A_72 = arith.addi %mul3A_2, %add3A_71 : i32
    %dma_start3A_73 = arith.constant 0 : i32
    %dma_start3A_74 = tpu.memref_slice %arg4[%add3A_72, %dma_start3A_73] : memref<10240x768xf32, #tpu.memory_space<hbm>> -> memref<64x768xf32, #tpu.memory_space<hbm>>
    %dma_start3A_75 = arith.constant 0 : i32
    %dma_start3A_76 = tpu.memref_slice %arg4[%add3A_72, %dma_start3A_75] : memref<10240x768xf32, #tpu.memory_space<hbm>> -> memref<64x768xf32, #tpu.memory_space<hbm>>
    tpu.enqueue_dma source(%arg7 : memref<64x768xf32, #tpu.memory_space<vmem>>) target(%dma_start3A_76 : memref<64x768xf32, #tpu.memory_space<hbm>>) target_semaphore(%arg9 : memref<!tpu.dma_semaphore, #tpu.memory_space<semaphore_mem>>)
    %dma_start3A_77 = arith.constant 256 : i32
    %dma_start3A_78 = tpu.memref_slice %arg5[%dma_start3A_77] : memref<320xi32, #tpu.memory_space<vmem>> -> memref<64xi32, #tpu.memory_space<vmem>>
    %dma_start3A_79 = arith.constant 0 : i32
    %dma_start3A_80 = arith.constant 0 : i32
    %dma_start3A_81 = tpu.memref_slice %arg2[%dma_start3A_79, %dma_start3A_80] : memref<4096x768xf32, #tpu.memory_space<hbm>> -> memref<4096x768xf32, #tpu.memory_space<hbm>>
    tpu.enqueue_indirect_dma source(%dma_start3A_81 : memref<4096x768xf32, #tpu.memory_space<hbm>>) target(%arg6 : memref<64x768xf32, #tpu.memory_space<vmem>>) offsets(%dma_start3A_78 : memref<64xi32, #tpu.memory_space<vmem>>) semaphore(%arg8 : memref<!tpu.dma_semaphore, #tpu.memory_space<semaphore_mem>>)
    %dma_wait3A_82 = arith.constant 256 : i32
    %dma_wait3A_83 = tpu.memref_slice %arg5[%dma_wait3A_82] : memref<320xi32, #tpu.memory_space<vmem>> -> memref<64xi32, #tpu.memory_space<vmem>>
    %dma_wait3A_84 = arith.constant 0 : i32
    %dma_wait3A_85 = arith.constant 0 : i32
    %dma_wait3A_86 = tpu.memref_slice %arg2[%dma_wait3A_84, %dma_wait3A_85] : memref<4096x768xf32, #tpu.memory_space<hbm>> -> memref<4096x768xf32, #tpu.memory_space<hbm>>
    tpu.wait_indirect_dma semaphore(%arg8 : memref<!tpu.dma_semaphore, #tpu.memory_space<semaphore_mem>>) src(%dma_wait3A_86 : memref<4096x768xf32, #tpu.memory_space<hbm>>) dst(%arg6 : memref<64x768xf32, #tpu.memory_space<vmem>>)
    %dma_wait3A_87 = arith.constant 0 : i32
    %dma_wait3A_88 = tpu.memref_slice %arg4[%add3A_72, %dma_wait3A_87] : memref<10240x768xf32, #tpu.memory_space<hbm>> -> memref<64x768xf32, #tpu.memory_space<hbm>>
    %dma_wait3A_89 = arith.constant 0 : i32
    %dma_wait3A_90 = tpu.memref_slice %arg4[%add3A_72, %dma_wait3A_89] : memref<10240x768xf32, #tpu.memory_space<hbm>> -> memref<64x768xf32, #tpu.memory_space<hbm>>
    tpu.wait_dma2 semaphore(%arg9 : memref<!tpu.dma_semaphore, #tpu.memory_space<semaphore_mem>>) src(%arg7 : memref<64x768xf32, #tpu.memory_space<vmem>>) dst(%dma_wait3A_90 : memref<64x768xf32, #tpu.memory_space<hbm>>)
    %add3A_91 = arith.constant 256 : i32
    %add3A_92 = arith.addi %mul3A_2, %add3A_91 : i32
    %dma_start3A_93 = arith.constant 0 : i32
    %dma_start3A_94 = tpu.memref_slice %arg4[%add3A_92, %dma_start3A_93] : memref<10240x768xf32, #tpu.memory_space<hbm>> -> memref<64x768xf32, #tpu.memory_space<hbm>>
    %dma_start3A_95 = arith.constant 0 : i32
    %dma_start3A_96 = tpu.memref_slice %arg4[%add3A_92, %dma_start3A_95] : memref<10240x768xf32, #tpu.memory_space<hbm>> -> memref<64x768xf32, #tpu.memory_space<hbm>>
    tpu.enqueue_dma source(%arg6 : memref<64x768xf32, #tpu.memory_space<vmem>>) target(%dma_start3A_96 : memref<64x768xf32, #tpu.memory_space<hbm>>) target_semaphore(%arg9 : memref<!tpu.dma_semaphore, #tpu.memory_space<semaphore_mem>>)
    %dma_wait3A_97 = arith.constant 0 : i32
    %dma_wait3A_98 = tpu.memref_slice %arg4[%add3A_92, %dma_wait3A_97] : memref<10240x768xf32, #tpu.memory_space<hbm>> -> memref<64x768xf32, #tpu.memory_space<hbm>>
    %dma_wait3A_99 = arith.constant 0 : i32
    %dma_wait3A_100 = tpu.memref_slice %arg4[%add3A_92, %dma_wait3A_99] : memref<10240x768xf32, #tpu.memory_space<hbm>> -> memref<64x768xf32, #tpu.memory_space<hbm>>
    tpu.wait_dma2 semaphore(%arg9 : memref<!tpu.dma_semaphore, #tpu.memory_space<semaphore_mem>>) src(%arg6 : memref<64x768xf32, #tpu.memory_space<vmem>>) dst(%dma_wait3A_100 : memref<64x768xf32, #tpu.memory_space<hbm>>)
    return
  }
}

#map = affine_map<(d0, d1) -> (0, 0)>
#map1 = affine_map<(d0, d1) -> (0)>
module attributes {stable_mosaic.version = 14 : i64} {
  func.func @_combine_body(%arg0: i32, %arg1: i32, %arg2: memref<10240x768xf32, #tpu.memory_space<hbm>>, %arg3: memref<4096xi32, #tpu.memory_space<hbm>>, %arg4: memref<4096xi32, #tpu.memory_space<hbm>>, %arg5: memref<4096x768xf32, #tpu.memory_space<hbm>>, %arg6: memref<4096x768xf32, #tpu.memory_space<hbm>>, %arg7: memref<128xi32, #tpu.memory_space<vmem>>, %arg8: memref<128xi32, #tpu.memory_space<vmem>>, %arg9: memref<64x768xf32, #tpu.memory_space<vmem>>, %arg10: memref<64x768xf32, #tpu.memory_space<vmem>>, %arg11: memref<!tpu.dma_semaphore, #tpu.memory_space<semaphore_mem>>, %arg12: memref<!tpu.dma_semaphore, #tpu.memory_space<semaphore_mem>>) attributes {dimension_semantics = [#tpu.dimension_semantics<core_parallel>, #tpu.dimension_semantics<subcore_parallel>], iteration_bounds = array<i64: 2, 16>, scalar_prefetch = 0 : i64, scratch_operands = 6 : i64, tpu.core_type = #tpu.core_type<sc_vector_subcore>, window_params = [{transform_indices = #map}, {transform_indices = #map1}, {transform_indices = #map1}, {transform_indices = #map}, {transform_indices = #map}]} {
    %mul3A = arith.constant 2 : i32
    %mul3A_0 = arith.muli %arg1, %mul3A : i32
    %add3A = arith.addi %mul3A_0, %arg0 : i32
    %mul3A_1 = arith.constant 128 : i32
    %mul3A_2 = arith.muli %add3A, %mul3A_1 : i32
    %dma_start3A = tpu.memref_slice %arg3[%mul3A_2] : memref<4096xi32, #tpu.memory_space<hbm>> -> memref<128xi32, #tpu.memory_space<hbm>>
    %dma_start3A_3 = tpu.memref_slice %arg3[%mul3A_2] : memref<4096xi32, #tpu.memory_space<hbm>> -> memref<128xi32, #tpu.memory_space<hbm>>
    tpu.enqueue_dma source(%dma_start3A_3 : memref<128xi32, #tpu.memory_space<hbm>>) target(%arg7 : memref<128xi32, #tpu.memory_space<vmem>>) target_semaphore(%arg12 : memref<!tpu.dma_semaphore, #tpu.memory_space<semaphore_mem>>)
    %dma_start3A_4 = tpu.memref_slice %arg4[%mul3A_2] : memref<4096xi32, #tpu.memory_space<hbm>> -> memref<128xi32, #tpu.memory_space<hbm>>
    %dma_start3A_5 = tpu.memref_slice %arg4[%mul3A_2] : memref<4096xi32, #tpu.memory_space<hbm>> -> memref<128xi32, #tpu.memory_space<hbm>>
    tpu.enqueue_dma source(%dma_start3A_5 : memref<128xi32, #tpu.memory_space<hbm>>) target(%arg8 : memref<128xi32, #tpu.memory_space<vmem>>) target_semaphore(%arg12 : memref<!tpu.dma_semaphore, #tpu.memory_space<semaphore_mem>>)
    %dma_wait3A = tpu.memref_slice %arg3[%mul3A_2] : memref<4096xi32, #tpu.memory_space<hbm>> -> memref<128xi32, #tpu.memory_space<hbm>>
    %dma_wait3A_6 = tpu.memref_slice %arg3[%mul3A_2] : memref<4096xi32, #tpu.memory_space<hbm>> -> memref<128xi32, #tpu.memory_space<hbm>>
    tpu.wait_dma2 semaphore(%arg12 : memref<!tpu.dma_semaphore, #tpu.memory_space<semaphore_mem>>) src(%dma_wait3A_6 : memref<128xi32, #tpu.memory_space<hbm>>) dst(%arg7 : memref<128xi32, #tpu.memory_space<vmem>>)
    %dma_wait3A_7 = tpu.memref_slice %arg4[%mul3A_2] : memref<4096xi32, #tpu.memory_space<hbm>> -> memref<128xi32, #tpu.memory_space<hbm>>
    %dma_wait3A_8 = tpu.memref_slice %arg4[%mul3A_2] : memref<4096xi32, #tpu.memory_space<hbm>> -> memref<128xi32, #tpu.memory_space<hbm>>
    tpu.wait_dma2 semaphore(%arg12 : memref<!tpu.dma_semaphore, #tpu.memory_space<semaphore_mem>>) src(%dma_wait3A_8 : memref<128xi32, #tpu.memory_space<hbm>>) dst(%arg8 : memref<128xi32, #tpu.memory_space<vmem>>)
    %dma_start3A_9 = arith.constant 0 : i32
    %dma_start3A_10 = tpu.memref_slice %arg7[%dma_start3A_9] : memref<128xi32, #tpu.memory_space<vmem>> -> memref<64xi32, #tpu.memory_space<vmem>>
    %dma_start3A_11 = arith.constant 0 : i32
    %dma_start3A_12 = arith.constant 0 : i32
    %dma_start3A_13 = tpu.memref_slice %arg2[%dma_start3A_11, %dma_start3A_12] : memref<10240x768xf32, #tpu.memory_space<hbm>> -> memref<10240x768xf32, #tpu.memory_space<hbm>>
    tpu.enqueue_indirect_dma source(%dma_start3A_13 : memref<10240x768xf32, #tpu.memory_space<hbm>>) target(%arg9 : memref<64x768xf32, #tpu.memory_space<vmem>>) offsets(%dma_start3A_10 : memref<64xi32, #tpu.memory_space<vmem>>) semaphore(%arg11 : memref<!tpu.dma_semaphore, #tpu.memory_space<semaphore_mem>>)
    %dma_start3A_14 = arith.constant 64 : i32
    %dma_start3A_15 = tpu.memref_slice %arg7[%dma_start3A_14] : memref<128xi32, #tpu.memory_space<vmem>> -> memref<64xi32, #tpu.memory_space<vmem>>
    %dma_start3A_16 = arith.constant 0 : i32
    %dma_start3A_17 = arith.constant 0 : i32
    %dma_start3A_18 = tpu.memref_slice %arg2[%dma_start3A_16, %dma_start3A_17] : memref<10240x768xf32, #tpu.memory_space<hbm>> -> memref<10240x768xf32, #tpu.memory_space<hbm>>
    tpu.enqueue_indirect_dma source(%dma_start3A_18 : memref<10240x768xf32, #tpu.memory_space<hbm>>) target(%arg10 : memref<64x768xf32, #tpu.memory_space<vmem>>) offsets(%dma_start3A_15 : memref<64xi32, #tpu.memory_space<vmem>>) semaphore(%arg11 : memref<!tpu.dma_semaphore, #tpu.memory_space<semaphore_mem>>)
    %dma_wait3A_19 = arith.constant 0 : i32
    %dma_wait3A_20 = tpu.memref_slice %arg7[%dma_wait3A_19] : memref<128xi32, #tpu.memory_space<vmem>> -> memref<64xi32, #tpu.memory_space<vmem>>
    %dma_wait3A_21 = arith.constant 0 : i32
    %dma_wait3A_22 = arith.constant 0 : i32
    %dma_wait3A_23 = tpu.memref_slice %arg2[%dma_wait3A_21, %dma_wait3A_22] : memref<10240x768xf32, #tpu.memory_space<hbm>> -> memref<10240x768xf32, #tpu.memory_space<hbm>>
    tpu.wait_indirect_dma semaphore(%arg11 : memref<!tpu.dma_semaphore, #tpu.memory_space<semaphore_mem>>) src(%dma_wait3A_23 : memref<10240x768xf32, #tpu.memory_space<hbm>>) dst(%arg9 : memref<64x768xf32, #tpu.memory_space<vmem>>)
    %dma_start3A_24 = arith.constant 0 : i32
    %dma_start3A_25 = tpu.memref_slice %arg5[%mul3A_2, %dma_start3A_24] : memref<4096x768xf32, #tpu.memory_space<hbm>> -> memref<64x768xf32, #tpu.memory_space<hbm>>
    %dma_start3A_26 = arith.constant 0 : i32
    %dma_start3A_27 = tpu.memref_slice %arg5[%mul3A_2, %dma_start3A_26] : memref<4096x768xf32, #tpu.memory_space<hbm>> -> memref<64x768xf32, #tpu.memory_space<hbm>>
    tpu.enqueue_dma source(%arg9 : memref<64x768xf32, #tpu.memory_space<vmem>>) target(%dma_start3A_27 : memref<64x768xf32, #tpu.memory_space<hbm>>) target_semaphore(%arg12 : memref<!tpu.dma_semaphore, #tpu.memory_space<semaphore_mem>>)
    %dma_wait3A_28 = arith.constant 64 : i32
    %dma_wait3A_29 = tpu.memref_slice %arg7[%dma_wait3A_28] : memref<128xi32, #tpu.memory_space<vmem>> -> memref<64xi32, #tpu.memory_space<vmem>>
    %dma_wait3A_30 = arith.constant 0 : i32
    %dma_wait3A_31 = arith.constant 0 : i32
    %dma_wait3A_32 = tpu.memref_slice %arg2[%dma_wait3A_30, %dma_wait3A_31] : memref<10240x768xf32, #tpu.memory_space<hbm>> -> memref<10240x768xf32, #tpu.memory_space<hbm>>
    tpu.wait_indirect_dma semaphore(%arg11 : memref<!tpu.dma_semaphore, #tpu.memory_space<semaphore_mem>>) src(%dma_wait3A_32 : memref<10240x768xf32, #tpu.memory_space<hbm>>) dst(%arg10 : memref<64x768xf32, #tpu.memory_space<vmem>>)
    %add3A_33 = arith.constant 64 : i32
    %add3A_34 = arith.addi %mul3A_2, %add3A_33 : i32
    %dma_start3A_35 = arith.constant 0 : i32
    %dma_start3A_36 = tpu.memref_slice %arg5[%add3A_34, %dma_start3A_35] : memref<4096x768xf32, #tpu.memory_space<hbm>> -> memref<64x768xf32, #tpu.memory_space<hbm>>
    %dma_start3A_37 = arith.constant 0 : i32
    %dma_start3A_38 = tpu.memref_slice %arg5[%add3A_34, %dma_start3A_37] : memref<4096x768xf32, #tpu.memory_space<hbm>> -> memref<64x768xf32, #tpu.memory_space<hbm>>
    tpu.enqueue_dma source(%arg10 : memref<64x768xf32, #tpu.memory_space<vmem>>) target(%dma_start3A_38 : memref<64x768xf32, #tpu.memory_space<hbm>>) target_semaphore(%arg12 : memref<!tpu.dma_semaphore, #tpu.memory_space<semaphore_mem>>)
    %dma_wait3A_39 = arith.constant 0 : i32
    %dma_wait3A_40 = tpu.memref_slice %arg5[%mul3A_2, %dma_wait3A_39] : memref<4096x768xf32, #tpu.memory_space<hbm>> -> memref<64x768xf32, #tpu.memory_space<hbm>>
    %dma_wait3A_41 = arith.constant 0 : i32
    %dma_wait3A_42 = tpu.memref_slice %arg5[%mul3A_2, %dma_wait3A_41] : memref<4096x768xf32, #tpu.memory_space<hbm>> -> memref<64x768xf32, #tpu.memory_space<hbm>>
    tpu.wait_dma2 semaphore(%arg12 : memref<!tpu.dma_semaphore, #tpu.memory_space<semaphore_mem>>) src(%arg9 : memref<64x768xf32, #tpu.memory_space<vmem>>) dst(%dma_wait3A_42 : memref<64x768xf32, #tpu.memory_space<hbm>>)
    %dma_start3A_43 = arith.constant 0 : i32
    %dma_start3A_44 = tpu.memref_slice %arg8[%dma_start3A_43] : memref<128xi32, #tpu.memory_space<vmem>> -> memref<64xi32, #tpu.memory_space<vmem>>
    %dma_start3A_45 = arith.constant 0 : i32
    %dma_start3A_46 = arith.constant 0 : i32
    %dma_start3A_47 = tpu.memref_slice %arg2[%dma_start3A_45, %dma_start3A_46] : memref<10240x768xf32, #tpu.memory_space<hbm>> -> memref<10240x768xf32, #tpu.memory_space<hbm>>
    tpu.enqueue_indirect_dma source(%dma_start3A_47 : memref<10240x768xf32, #tpu.memory_space<hbm>>) target(%arg9 : memref<64x768xf32, #tpu.memory_space<vmem>>) offsets(%dma_start3A_44 : memref<64xi32, #tpu.memory_space<vmem>>) semaphore(%arg11 : memref<!tpu.dma_semaphore, #tpu.memory_space<semaphore_mem>>)
    %dma_wait3A_48 = arith.constant 0 : i32
    %dma_wait3A_49 = tpu.memref_slice %arg5[%add3A_34, %dma_wait3A_48] : memref<4096x768xf32, #tpu.memory_space<hbm>> -> memref<64x768xf32, #tpu.memory_space<hbm>>
    %dma_wait3A_50 = arith.constant 0 : i32
    %dma_wait3A_51 = tpu.memref_slice %arg5[%add3A_34, %dma_wait3A_50] : memref<4096x768xf32, #tpu.memory_space<hbm>> -> memref<64x768xf32, #tpu.memory_space<hbm>>
    tpu.wait_dma2 semaphore(%arg12 : memref<!tpu.dma_semaphore, #tpu.memory_space<semaphore_mem>>) src(%arg10 : memref<64x768xf32, #tpu.memory_space<vmem>>) dst(%dma_wait3A_51 : memref<64x768xf32, #tpu.memory_space<hbm>>)
    %dma_start3A_52 = arith.constant 64 : i32
    %dma_start3A_53 = tpu.memref_slice %arg8[%dma_start3A_52] : memref<128xi32, #tpu.memory_space<vmem>> -> memref<64xi32, #tpu.memory_space<vmem>>
    %dma_start3A_54 = arith.constant 0 : i32
    %dma_start3A_55 = arith.constant 0 : i32
    %dma_start3A_56 = tpu.memref_slice %arg2[%dma_start3A_54, %dma_start3A_55] : memref<10240x768xf32, #tpu.memory_space<hbm>> -> memref<10240x768xf32, #tpu.memory_space<hbm>>
    tpu.enqueue_indirect_dma source(%dma_start3A_56 : memref<10240x768xf32, #tpu.memory_space<hbm>>) target(%arg10 : memref<64x768xf32, #tpu.memory_space<vmem>>) offsets(%dma_start3A_53 : memref<64xi32, #tpu.memory_space<vmem>>) semaphore(%arg11 : memref<!tpu.dma_semaphore, #tpu.memory_space<semaphore_mem>>)
    %dma_wait3A_57 = arith.constant 0 : i32
    %dma_wait3A_58 = tpu.memref_slice %arg8[%dma_wait3A_57] : memref<128xi32, #tpu.memory_space<vmem>> -> memref<64xi32, #tpu.memory_space<vmem>>
    %dma_wait3A_59 = arith.constant 0 : i32
    %dma_wait3A_60 = arith.constant 0 : i32
    %dma_wait3A_61 = tpu.memref_slice %arg2[%dma_wait3A_59, %dma_wait3A_60] : memref<10240x768xf32, #tpu.memory_space<hbm>> -> memref<10240x768xf32, #tpu.memory_space<hbm>>
    tpu.wait_indirect_dma semaphore(%arg11 : memref<!tpu.dma_semaphore, #tpu.memory_space<semaphore_mem>>) src(%dma_wait3A_61 : memref<10240x768xf32, #tpu.memory_space<hbm>>) dst(%arg9 : memref<64x768xf32, #tpu.memory_space<vmem>>)
    %dma_start3A_62 = arith.constant 0 : i32
    %dma_start3A_63 = tpu.memref_slice %arg6[%mul3A_2, %dma_start3A_62] : memref<4096x768xf32, #tpu.memory_space<hbm>> -> memref<64x768xf32, #tpu.memory_space<hbm>>
    %dma_start3A_64 = arith.constant 0 : i32
    %dma_start3A_65 = tpu.memref_slice %arg6[%mul3A_2, %dma_start3A_64] : memref<4096x768xf32, #tpu.memory_space<hbm>> -> memref<64x768xf32, #tpu.memory_space<hbm>>
    tpu.enqueue_dma source(%arg9 : memref<64x768xf32, #tpu.memory_space<vmem>>) target(%dma_start3A_65 : memref<64x768xf32, #tpu.memory_space<hbm>>) target_semaphore(%arg12 : memref<!tpu.dma_semaphore, #tpu.memory_space<semaphore_mem>>)
    %dma_wait3A_66 = arith.constant 64 : i32
    %dma_wait3A_67 = tpu.memref_slice %arg8[%dma_wait3A_66] : memref<128xi32, #tpu.memory_space<vmem>> -> memref<64xi32, #tpu.memory_space<vmem>>
    %dma_wait3A_68 = arith.constant 0 : i32
    %dma_wait3A_69 = arith.constant 0 : i32
    %dma_wait3A_70 = tpu.memref_slice %arg2[%dma_wait3A_68, %dma_wait3A_69] : memref<10240x768xf32, #tpu.memory_space<hbm>> -> memref<10240x768xf32, #tpu.memory_space<hbm>>
    tpu.wait_indirect_dma semaphore(%arg11 : memref<!tpu.dma_semaphore, #tpu.memory_space<semaphore_mem>>) src(%dma_wait3A_70 : memref<10240x768xf32, #tpu.memory_space<hbm>>) dst(%arg10 : memref<64x768xf32, #tpu.memory_space<vmem>>)
    %add3A_71 = arith.constant 64 : i32
    %add3A_72 = arith.addi %mul3A_2, %add3A_71 : i32
    %dma_start3A_73 = arith.constant 0 : i32
    %dma_start3A_74 = tpu.memref_slice %arg6[%add3A_72, %dma_start3A_73] : memref<4096x768xf32, #tpu.memory_space<hbm>> -> memref<64x768xf32, #tpu.memory_space<hbm>>
    %dma_start3A_75 = arith.constant 0 : i32
    %dma_start3A_76 = tpu.memref_slice %arg6[%add3A_72, %dma_start3A_75] : memref<4096x768xf32, #tpu.memory_space<hbm>> -> memref<64x768xf32, #tpu.memory_space<hbm>>
    tpu.enqueue_dma source(%arg10 : memref<64x768xf32, #tpu.memory_space<vmem>>) target(%dma_start3A_76 : memref<64x768xf32, #tpu.memory_space<hbm>>) target_semaphore(%arg12 : memref<!tpu.dma_semaphore, #tpu.memory_space<semaphore_mem>>)
    %dma_wait3A_77 = arith.constant 0 : i32
    %dma_wait3A_78 = tpu.memref_slice %arg6[%mul3A_2, %dma_wait3A_77] : memref<4096x768xf32, #tpu.memory_space<hbm>> -> memref<64x768xf32, #tpu.memory_space<hbm>>
    %dma_wait3A_79 = arith.constant 0 : i32
    %dma_wait3A_80 = tpu.memref_slice %arg6[%mul3A_2, %dma_wait3A_79] : memref<4096x768xf32, #tpu.memory_space<hbm>> -> memref<64x768xf32, #tpu.memory_space<hbm>>
    tpu.wait_dma2 semaphore(%arg12 : memref<!tpu.dma_semaphore, #tpu.memory_space<semaphore_mem>>) src(%arg9 : memref<64x768xf32, #tpu.memory_space<vmem>>) dst(%dma_wait3A_80 : memref<64x768xf32, #tpu.memory_space<hbm>>)
    %dma_wait3A_81 = arith.constant 0 : i32
    %dma_wait3A_82 = tpu.memref_slice %arg6[%add3A_72, %dma_wait3A_81] : memref<4096x768xf32, #tpu.memory_space<hbm>> -> memref<64x768xf32, #tpu.memory_space<hbm>>
    %dma_wait3A_83 = arith.constant 0 : i32
    %dma_wait3A_84 = tpu.memref_slice %arg6[%add3A_72, %dma_wait3A_83] : memref<4096x768xf32, #tpu.memory_space<hbm>> -> memref<64x768xf32, #tpu.memory_space<hbm>>
    tpu.wait_dma2 semaphore(%arg12 : memref<!tpu.dma_semaphore, #tpu.memory_space<semaphore_mem>>) src(%arg10 : memref<64x768xf32, #tpu.memory_space<vmem>>) dst(%dma_wait3A_84 : memref<64x768xf32, #tpu.memory_space<hbm>>)
    return
  }
}

module attributes {stable_mosaic.version = 14 : i64} {
  func.func @_gmm_body(%arg0: i32, %arg1: memref<40xi32, #tpu.memory_space<smem>>, %arg2: memref<256x768xf32, #tpu.memory_space<vmem>>, %arg3: memref<8x768x768xbf16, #tpu.memory_space<vmem>>, %arg4: memref<8x1x768xf32, #tpu.memory_space<vmem>>, %arg5: memref<1x1x256xf32, #tpu.memory_space<vmem>>, %arg6: memref<256x768xf32, #tpu.memory_space<vmem>>) attributes {dimension_semantics = [#tpu.dimension_semantics<arbitrary>], iteration_bounds = array<i64: 40>, scalar_prefetch = 1 : i64, scratch_operands = 0 : i64, tpu.core_type = #tpu.core_type<tc>, window_params = [{transform_indices = @transform_0, window_bounds = array<i64: 256, 768>}, {pipeline_mode = #tpu.pipeline_mode<synchronous>, transform_indices = @transform_1, window_bounds = array<i64: 8, 768, 768>}, {pipeline_mode = #tpu.pipeline_mode<synchronous>, transform_indices = @transform_2, window_bounds = array<i64: 8, 1, 768>}, {transform_indices = @transform_3, window_bounds = array<i64: 1, 1, 256>}, {transform_indices = @transform_4, window_bounds = array<i64: 256, 768>}]} {
    %get3A = arith.index_cast %arg0 : i32 to index
    %get3A_0 = memref.load %arg1[%get3A] : memref<40xi32, #tpu.memory_space<smem>>
    %get3A_1 = arith.constant 0 : index
    %get3A_2 = arith.constant 0 : index
    %get3A_3 = vector.load %arg2[%get3A_1, %get3A_2] : memref<256x768xf32, #tpu.memory_space<vmem>>, vector<256x768xf32>
    %convert_element_type3A = arith.truncf %get3A_3 : vector<256x768xf32> to vector<256x768xbf16>
    %get3A_4 = arith.index_cast %get3A_0 : i32 to index
    %get3A_5 = arith.constant 0 : index
    %get3A_6 = arith.constant 0 : index
    %get3A_7 = vector.load %arg3[%get3A_4, %get3A_5, %get3A_6] : memref<8x768x768xbf16, #tpu.memory_space<vmem>>, vector<1x768x768xbf16>
    %get3A_8 = vector.shape_cast %get3A_7 : vector<1x768x768xbf16> to vector<768x768xbf16>
    %dot_general3A = arith.constant dense<0.000000e+00> : vector<256x768xf32>
    %dot_general3A_9 = tpu.matmul %convert_element_type3A, %get3A_8, %dot_general3A {dimension_numbers = #tpu.dot_dimension_numbers<[1], [0], [0], [1], [0, 0, 1, 1], [], []>, transpose_lhs_hint = false} : vector<256x768xbf16>, vector<768x768xbf16>, vector<256x768xf32> -> vector<256x768xf32>
    %get3A_10 = arith.constant 0 : index
    %get3A_11 = arith.constant 0 : index
    %get3A_12 = arith.constant 0 : index
    %get3A_13 = vector.load %arg5[%get3A_10, %get3A_11, %get3A_12] : memref<1x1x256xf32, #tpu.memory_space<vmem>>, vector<1x1x256xf32>
    %get3A_14 = vector.shape_cast %get3A_13 : vector<1x1x256xf32> to vector<1x256xf32>
    %reshape3A = vector.shape_cast %get3A_14 : vector<1x256xf32> to vector<256x1xf32>
    %get3A_15 = arith.index_cast %get3A_0 : i32 to index
    %get3A_16 = arith.constant 0 : index
    %get3A_17 = arith.constant 0 : index
    %get3A_18 = vector.load %arg4[%get3A_15, %get3A_16, %get3A_17] : memref<8x1x768xf32, #tpu.memory_space<vmem>>, vector<1x1x768xf32>
    %get3A_19 = vector.shape_cast %get3A_18 : vector<1x1x768xf32> to vector<1x768xf32>
    %add3A = vector.broadcast %get3A_19 : vector<1x768xf32> to vector<256x768xf32>
    %add3A_20 = arith.addf %dot_general3A_9, %add3A : vector<256x768xf32>
    %mul3A = vector.broadcast %reshape3A : vector<256x1xf32> to vector<256x768xf32>
    %mul3A_21 = arith.mulf %add3A_20, %mul3A : vector<256x768xf32>
    %swap3A = arith.constant 0 : index
    %swap3A_22 = arith.constant 0 : index
    %swap3A_23 = vector.load %arg6[%swap3A, %swap3A_22] : memref<256x768xf32, #tpu.memory_space<vmem>>, vector<256x768xf32>
    tpu.vector_store %arg6[%swap3A, %swap3A_22], %mul3A_21 {strides = array<i32>} : memref<256x768xf32, #tpu.memory_space<vmem>>, vector<256x768xf32>,
    return
  }
  func.func @transform_0(%arg0: i32, %arg1: memref<40xi32, #tpu.memory_space<smem>>) -> (i32, i32) {
    %c0_i32 = arith.constant 0 : i32
    %c0_i32_0 = arith.constant 0 : i32
    return %arg0, %c0_i32 : i32, i32
  }
  func.func @transform_1(%arg0: i32, %arg1: memref<40xi32, #tpu.memory_space<smem>>) -> (i32, i32, i32) {
    %c0_i32 = arith.constant 0 : i32
    %c0_i32_0 = arith.constant 0 : i32
    %c0_i32_1 = arith.constant 0 : i32
    %c0_i32_2 = arith.constant 0 : i32
    return %c0_i32, %c0_i32_0, %c0_i32_1 : i32, i32, i32
  }
  func.func @transform_2(%arg0: i32, %arg1: memref<40xi32, #tpu.memory_space<smem>>) -> (i32, i32, i32) {
    %c0_i32 = arith.constant 0 : i32
    %c0_i32_0 = arith.constant 0 : i32
    %c0_i32_1 = arith.constant 0 : i32
    %c0_i32_2 = arith.constant 0 : i32
    return %c0_i32, %c0_i32_0, %c0_i32_1 : i32, i32, i32
  }
  func.func @transform_3(%arg0: i32, %arg1: memref<40xi32, #tpu.memory_space<smem>>) -> (i32, i32, i32) {
    %c0_i32 = arith.constant 0 : i32
    %c0_i32_0 = arith.constant 0 : i32
    %c0_i32_1 = arith.constant 0 : i32
    return %arg0, %c0_i32, %c0_i32_0 : i32, i32, i32
  }
  func.func @transform_4(%arg0: i32, %arg1: memref<40xi32, #tpu.memory_space<smem>>) -> (i32, i32) {
    %c0_i32 = arith.constant 0 : i32
    %c0_i32_0 = arith.constant 0 : i32
    return %arg0, %c0_i32 : i32, i32
  }
}

module attributes {stable_mosaic.version = 14 : i64} {
  func.func @_pair_add_body(%arg0: i32, %arg1: memref<512x768xf32, #tpu.memory_space<vmem>>, %arg2: memref<512x768xf32, #tpu.memory_space<vmem>>, %arg3: memref<512x768xf32, #tpu.memory_space<vmem>>) attributes {dimension_semantics = [#tpu.dimension_semantics<arbitrary>], iteration_bounds = array<i64: 8>, scalar_prefetch = 0 : i64, scratch_operands = 0 : i64, tpu.core_type = #tpu.core_type<tc>, window_params = [{transform_indices = @transform_0, window_bounds = array<i64: 512, 768>}, {transform_indices = @transform_1, window_bounds = array<i64: 512, 768>}, {transform_indices = @transform_2, window_bounds = array<i64: 512, 768>}]} {
    %get3A = arith.constant 0 : index
    %get3A_0 = arith.constant 0 : index
    %get3A_1 = vector.load %arg1[%get3A, %get3A_0] : memref<512x768xf32, #tpu.memory_space<vmem>>, vector<512x768xf32>
    %get3A_2 = arith.constant 0 : index
    %get3A_3 = arith.constant 0 : index
    %get3A_4 = vector.load %arg2[%get3A_2, %get3A_3] : memref<512x768xf32, #tpu.memory_space<vmem>>, vector<512x768xf32>
    %add3A = arith.addf %get3A_1, %get3A_4 : vector<512x768xf32>
    %swap3A = arith.constant 0 : index
    %swap3A_5 = arith.constant 0 : index
    %swap3A_6 = vector.load %arg3[%swap3A, %swap3A_5] : memref<512x768xf32, #tpu.memory_space<vmem>>, vector<512x768xf32>
    tpu.vector_store %arg3[%swap3A, %swap3A_5], %add3A {strides = array<i32>} : memref<512x768xf32, #tpu.memory_space<vmem>>, vector<512x768xf32>,
    return
  }
  func.func @transform_0(%arg0: i32) -> (i32, i32) {
    %c0_i32 = arith.constant 0 : i32
    %c0_i32_0 = arith.constant 0 : i32
    return %arg0, %c0_i32 : i32, i32
  }
  func.func @transform_1(%arg0: i32) -> (i32, i32) {
    %c0_i32 = arith.constant 0 : i32
    %c0_i32_0 = arith.constant 0 : i32
    return %arg0, %c0_i32 : i32, i32
  }
  func.func @transform_2(%arg0: i32) -> (i32, i32) {
    %c0_i32 = arith.constant 0 : i32
    %c0_i32_0 = arith.constant 0 : i32
    return %arg0, %c0_i32 : i32, i32
  }
}

</mosaic_0001>

<sc_bundles>
// kernel: gather_offload_async_start
scs
__scs_entry_jumppad:
0x0: {  	(pc) =	sbr.rel $0x88, $3  }
0x1: {  	(tag) =	ssettag $0x0;
	lr =	simm.s32 $0x1  }
0x2: {  	[smem:$0x3F9C] =	sst lr;
	_ =	strace $0xD0000000  }
0x3: {  	_ = 	snop  }
0x4: {  	_ = 	snop  }
0x5: {  	_ = 	snop  }
0x6: {  	_ = 	snop  }
0x7: {  	_ = 	snop  }
__scs_overlays_trampoline_lowered:
0x8: {  	[smem:$0x3FAB] =	sst s0  }
0x9: {  	[smem:$0x3FAC] =	sst s1  }
0xa: {  	[smem:$0x3FAD] =	sst s2  }
0xb: {  	[smem:$0x3FAE] =	sst s3  }
0xc: {  	[smem:$0x3FAF] =	sst s4  }
0xd: {  	[smem:$0x3FB0] =	sst s5  }
0xe: {  	[smem:$0x3FB1] =	sst s6  }
0xf: {  	[smem:$0x3FB2] =	sst s7  }
0x10: {  	[smem:$0x3FB3] =	sst s8  }
0x11: {  	[smem:$0x3FB4] =	sst s9;
	s0 =	simm.s32 @!p0 $0x0  }
0x12: {  	s1 =	sld [smem:$0x3F9A];
	s0 =	simm.s32 @p0 $0x1  }
0x13: {  	[smem:$0x3FB5] =	sst s0;
	s0 =	simm.s32 @!p1 $0x0  }
0x14: {  	s2 =	sld [smem:$0x3F99];
	s0 =	simm.s32 @p1 $0x1  }
0x15: {  	[smem:$0x3FB6] =	sst s0;
	s0 =	simm.s32 @!p2 $0x0  }
0x16: {  	s3 =	sld [smem:$0x3FDB];
	s0 =	simm.s32 @p2 $0x1  }
0x17: {  	s4 =	simm.s32 $0x1BF5;
	[smem:$0x3FB8] =	sst s0  }
0x18: {  	s0 =	sld [smem:$0x3F9B];
	_ =	swait.ge [sflag:s4], $0x0  }
0x19: {  	s7 =	sld [smem:$0x3F9C]  }
0x1a: {  	s8 =	sadd.s32 $0xFFFFE003, lr  }
0x1b: {  	s9 =	sadd.s32 $0xFFFFFEF7, lr;
	s5 =	simm.s32 $0xFFFFFFFF;
	p2 =	slt.u32 s8, $0xFFFFF086  }
0x1c: {  	p1 =	slt.u32 s9, $0xF7A;
	s5 =	simm.s32 @!p2 $0x0  }
0x1d: {  	s5 =	simm.s32 @p1 $0x1;
	p0 =	seq.s32 s7, s2  }
0x1e: {  	s7 =	smul.u32 @!p0 $0xF7A, s2;
	p2 =	seq.s32 @!p0 s5, $0x0  }
0x1f: {  	s9 =	smul.u32 $0xF7A, s1;
	s8 =	simm.s32 @!p0 $0x1BF5;
	p2 =	por !p2, p0  }
0x20: {  	[sflag:s8] =	ssyncset.s32 @!p0 $0xFFFFF086;
	s6 =	sadd.s32 @!p0 s3, s7;
	s7 =	simm.s32 @!p0 $0x108  }
0x21: {  	s3 =	sadd.s32 s3, s9;
	s6 =	sadd.s32 @!p0 $0x88, s6;
	s7 =	simm.s32 @p2 $0x1082  }
0x22: {  	[simem:s7], [sflag:s8] =	dma.local @!p0 [hbm:s6], $0xF7A  }
0x23: {  	s9 =	sor.u32 $0xD0000000, s2;
	s6 =	simm.s32 $0x108;
	_ =	swait.ge @!p0 [sflag:s8], $0x0  }
0x24: {  	s3 =	sadd.s32 $0x88, s3;
	s6 =	simm.s32 @!p1 $0x1082;
	[sflag:s4] =	ssyncset.s32 $0xFFFFF086  }
0x25: {  	[simem:s6], [sflag:s4] =	dma.local [hbm:s3], $0xF7A  }
0x26: {  	[smem:$0x3F9C] =	sst s1;
	(tag) =	ssettag s2;
	_ =	strace s9  }
0x27: {  	s1 =	sld [smem:$0x3FAC]  }
0x28: {  	s2 =	sld [smem:$0x3FAD]  }
0x29: {  	s4 =	sld [smem:$0x3FAF]  }
0x2a: {  	p0 =	seq.s32 s5, $0x0;
	s5 =	sld [smem:$0x3FB0]  }
0x2b: {  	s6 =	sld [smem:$0x3FB1]  }
0x2c: {  	s7 =	sld [smem:$0x3FB2]  }
0x2d: {  	s3 =	simm.s32 $0x108;
	s8 =	sld [smem:$0x3FB3]  }
0x2e: {  	s3 =	simm.s32 @!p0 $0x1082;
	s9 =	sld [smem:$0x3FB4]  }
0x2f: {  	lr =	sadd.s32 s0, s3;
	s0 =	sld [smem:$0x3FAB]  }
0x30: {  	s3 =	sld [smem:$0x3FAE]  }
0x31: {  	[smem:$0x3FB7] =	sst s10  }
0x32: {  	s10 =	sld [smem:$0x3FB5];
	_ =	sdelay $0x3  }
0x33: {  	p0 =	seq.s32 s10, $0x1;
	s10 =	sld [smem:$0x3FB7];
	_ =	sdelay $0x3  }
0x34: {  	[smem:$0x3FB7] =	sst s10  }
0x35: {  	s10 =	sld [smem:$0x3FB6];
	_ =	sdelay $0x3  }
0x36: {  	p1 =	seq.s32 s10, $0x1;
	s10 =	sld [smem:$0x3FB7];
	_ =	sdelay $0x3  }
0x37: {  	[smem:$0x3FB7] =	sst s10  }
0x38: {  	s10 =	sld [smem:$0x3FB8]  }
0x39: {  	_ = 	snop;
	(pc) =	sbr.ind lr, $3  }
0x3a: {  	_ = 	snop  }
0x3b: {  	_ = 	snop  }
0x3c: {  	p2 =	seq.s32 s10, $0x1;
	s10 =	sld [smem:$0x3FB7]  }
0x3d: {  	_ =	shalt  }
0x3e: {  	_ =	shalt  }
0x3f: {  	_ =	shalt  }
0x40: {  	_ =	shalt  }
0x41: {  	_ =	shalt  }
0x42: {  	_ =	shalt  }
0x43: {  	_ =	shalt  }
0x44: {  	_ =	shalt  }
0x45: {  	_ =	shalt  }
0x46: {  	_ =	shalt  }
0x47: {  	_ =	shalt  }
0x48: {  	_ =	shalt  }
0x49: {  	_ =	shalt  }
0x4a: {  	_ =	shalt  }
0x4b: {  	_ =	shalt  }
0x4c: {  	_ =	shalt  }
0x4d: {  	_ =	shalt  }
0x4e: {  	_ =	shalt  }
0x4f: {  	_ =	shalt  }
0x50: {  	_ =	shalt  }
0x51: {  	_ =	shalt  }
0x52: {  	_ =	shalt  }
0x53: {  	_ =	shalt  }
0x54: {  	_ =	shalt  }
0x55: {  	_ =	shalt  }
0x56: {  	_ =	shalt  }
0x57: {  	_ =	shalt  }
0x58: {  	_ =	shalt  }
0x59: {  	_ =	shalt  }
0x5a: {  	_ =	shalt  }
0x5b: {  	_ =	shalt  }
0x5c: {  	_ =	shalt  }
0x5d: {  	_ =	shalt  }
0x5e: {  	_ =	shalt  }
0x5f: {  	_ =	shalt  }
0x60: {  	_ =	shalt  }
0x61: {  	_ =	shalt  }
0x62: {  	_ =	shalt  }
0x63: {  	_ =	shalt  }
0x64: {  	_ =	shalt  }
0x65: {  	_ =	shalt  }
0x66: {  	_ =	shalt  }
0x67: {  	_ =	shalt  }
0x68: {  	_ =	shalt  }
0x69: {  	_ =	shalt  }
0x6a: {  	_ =	shalt  }
0x6b: {  	_ =	shalt  }
0x6c: {  	_ =	shalt  }
0x6d: {  	_ =	shalt  }
0x6e: {  	_ =	shalt  }
0x6f: {  	_ =	shalt  }
0x70: {  	_ =	shalt  }
0x71: {  	_ =	shalt  }
0x72: {  	_ =	shalt  }
0x73: {  	_ =	shalt  }
0x74: {  	_ =	shalt  }
0x75: {  	_ =	shalt  }
0x76: {  	_ =	shalt  }
0x77: {  	_ =	shalt  }
0x78: {  	_ =	shalt  }
0x79: {  	_ =	shalt  }
0x7a: {  	_ =	shalt  }
0x7b: {  	_ =	shalt  }
0x7c: {  	_ =	shalt  }
0x7d: {  	_ =	shalt  }
0x7e: {  	_ =	shalt  }
0x7f: {  	_ =	shalt  }
0x80: {  	_ =	shalt  }
0x81: {  	_ =	shalt  }
0x82: {  	_ =	shalt  }
0x83: {  	_ =	shalt  }
0x84: {  	_ =	shalt  }
0x85: {  	_ =	shalt  }
0x86: {  	_ =	shalt  }
0x87: {  	_ =	shalt  }
.Lfunc_end0:
.L_simem_size_0:
called_computation_lowered:
.L_overlay_start_0:
0x88: {  	s2 =	sld [smem:$0x3FD9]  }
0x89: {  	s3 =	sld [smem:$0x3FFE];
	_ =	sdelay $0x1  }
0x8a: {  	s1 =	srdreg.scid  }
0x8b: {  	s0 =	sand.u32 $0x1, s1  }
0x8c: {  	s14 =	sshll.u32 s0, $0xA;
	s2 =	sadd.s32 s3, s2  }
0x8d: {  	s2 =	sadd.s32 s2, s14  }
0x8e: {  	[smem:$0x3FC3] =	sst s2  }
0x8f: {  	_ = 	snop  }
0x90: {  	s2 =	sld [smem:$0x3FD0];
	_ =	sdelay $0x2  }
0x91: {  	s15 =	simm.s32 $0xA;
	s4 =	simm.s32 $0x10  }
0x92: {  	[smem:s4], [sflag:s15] =	dma.local [hbm:s2], $0x1  }
0x93: {  	_ =	swait.eq [sflag:s15], $0x1  }
0x94: {  	[sflag:s15] =	ssyncset.done $0x0  }
0x95: {  	[sflag:s15] =	ssyncadd.s32 $0xFFFFFFFF  }
0x96: {  	s16 =	sld [smem:$0x10];
	(tm) =	ssettm $0x1  }
0x97: {  	s17 =	sld [smem:$0x3FFB];
	_ =	sdelay $0x3  }
0x98: {  	_ =	strace s17  }
0x99: {  	s3 =	sld [smem:$0x3FFC];
	_ =	sdelay $0x3  }
0x9a: {  	_ =	strace s3  }
0x9b: {  	s3 =	sld [smem:$0x3FFD];
	_ =	sdelay $0x3  }
0x9c: {  	_ =	strace s3  }
0x9d: {  	_ =	strace $0x8FFFFFFF  }
0x9e: {  	s18 =	sld [smem:$0x3FDB];
	_ =	sdelay $0x1  }
0x9f: {  	s19 =	simm.s32 $_scs_section_size  }
0xa0: {  	s5 =	simm.s32 $_size__tile_overlayer_lowered;
	s6 =	simm.s32 $_tile_overlayer_lowered  }
0xa1: {  	s22 =	simm.s32 $0x1BFF;
	s21 =	sshll.u32 s6, $0x1;
	s3 =	sadd.s32 s19, s18  }
0xa2: {  	s7 =	simm.s32 $0x0;
	s20 =	sshll.u32 s5, $0x1;
	s5 =	sadd.s32 s21, s3  }
0xa3: {  	[timem:s7], [sflag:s22] =	dma.local [hbm:s5], s20  }
0xa4: {  	_ =	swait.ge [sflag:s22], s20  }
0xa5: {  	s4 =	ssub.s32 $0x0, s20;
	[sflag:s22] =	ssyncset.done $0x0  }
0xa6: {  	[sflag:s22] =	ssyncadd.s32 s4;
	_ =	sdelay $0x1  }
0xa7: {  	s23 =	simm.s32 $0x1B8B  }
0xa8: {  	_ =	swait.ge [sflag:s23], $0x1  }
0xa9: {  	[sflag:s23] =	ssyncset.done $0x0  }
0xaa: {  	s25 =	simm.s32 $0x1B8E;
	s24 =	sld [smem:$0x3FFE];
	[sflag:s23] =	ssyncadd.s32 $0xFFFFFFFF  }
0xab: {  	s26 =	simm.s32 $execute0_lowered;
	[smem:$0x3FD2] =	sst s25  }
0xac: {  	s5 =	sshll.u32 s26, $0x1;
	_ =	strace $0x80000046;
	[dreg:$0x1] =	wrdreg $0xFFFFFFFF  }
0xad: {  	s28 =	simm.s32 $_size_execute0_lowered;
	s3 =	sadd.s32 s3, s5;
	[dreg:$0x0] =	wrdreg $0x0  }
0xae: {  	s5 =	sshll.u32 s28, $0x1;
	[dreg:$0x2] =	wrdreg s3  }
0xaf: {  	[dreg:$0x3] =	wrdreg s5  }
0xb0: {  	[dreg:$0x4] =	wrdreg $0xC0  }
0xb1: {  	_ =	task [dreg:s7], $0x5FFFF  }
0xb2: {  	[dreg:$0x1] =	wrdreg $0xFFFFFFFF  }
0xb3: {  	[dreg:$0x0] =	wrdreg $0x60  }
0xb4: {  	[dreg:$0x2] =	wrdreg s16  }
0xb5: {  	[dreg:$0x3] =	wrdreg s24  }
0xb6: {  	[dreg:$0x4] =	wrdreg $0x9  }
0xb7: {  	_ =	task.clear_ibuf [dreg:s7], $0x5FFFF;
	_ =	strace $0x90000046  }
0xb8: {  	s29 =	simm.s32 $0x9;
	_ =	strace $0x80000048  }
0xb9: {  	_ =	swait.ge [sflag:s29], $0x1  }
0xba: {  	[sflag:s29] =	ssyncadd.s32 $0xFFFFFFFF  }
0xbb: {  	_ =	strace $0x90000048  }
0xbc: {  	_ =	sfence  }
0xbd: {  	s30 =	sld [smem:$0x0];
	_ =	sdelay $0x2  }
0xbe: {  	s31 =	sshll.u32 s1, $0xD;
	s1 =	sshrl.u32 s1, $0x2  }
0xbf: {  	s3 =	sand.u32 $0x4000, s31;
	s1 =	sadd.s32 s1, s30  }
0xc0: {  	s0 =	sor.u32 s3, s0;
	s1 =	sshll.u32 s1, $0x11  }
0xc1: {  	s0 =	sor.u32 s1, s0  }
0xc2: {  	s0 =	sadd.s32 $0x8F2B, s0  }
0xc3: {  	[sflag:s0] =	ssyncadd.remote.s32 $0x1  }
0xc4: {  	_ =	sfence.sel $0xFFFF  }
0xc5: {  	[dreg:$0x0] =	wrdreg $0xFFFFFFFF;
	(pc) =	sbr.abs _section_cstart, $3  }
0xc6: {  	[dreg:$0x1] =	wrdreg $0xFFFFFFFF  }
0xc7: {  	_ =	task.clear_ibuf [dreg:s7], $0x2FFFF;
	_ =	strace $0x9FFFFFFF  }
0xc8: {  	(tm) =	ssettm $0x7FFFFFFF  }
0xc9: {  	_ =	shalt  }
tec
execute0_lowered:
.L_overlay_start_1:
0x0: {  	(tag) =	ssettag $0x1  }
0x1: {  	s1 =	srdreg.scid;
	s2 =	rddreg [dreg:$0x0]  }
0x2: {  	s0 =	stileid.u32;
	s5 =	rddreg [dreg:$0x1];
	s6 =	simm.s32 $0x1  }
0x3: {  	s9 =	simm.s32 $0x1;
	s10 =	simm.s32 $0x3;
	s1 =	sshll.u32 s1, $0x7  }
0x4: {  	s13 =	simm.s32 $0x0;
	s3 =	sshll.u32 s0, $0x8;
	s4 =	sand.u32 $0x80, s1  }
0x5: {  	s12 =	simm.s32 $0x0;
	s1 =	rddreg [dreg:$0x2];
	s3 =	sor.u32 s3, s4  }
0x6: {  	_ =	strace $0x80000047;
	s4 =	sadd.s32 $0x1C00, s5;
	s8 =	ssub.s32 $0x2000, s3  }
.Ltmp0:
0x7: {  	s5 =	sadd.s32 $0x2000, s5;
	s7 =	sand.u32 $0xF80, s8;
	(pc) =	sbr.rel .LBB2_1-.Ltmp0, $4  }
0x8: {  	[sflag:s6] =	ssyncpa.u1 $0x0;
	s11 =	smov.u32 s3;
	p0 =	sne.s32 s7, $0x0  }
0x9: {  	s8 =	sshrl.u32 s8, $0xC;
	s7 =	simm.s32 $0x2;
	s9 =	simm.s32 @!p0 $0x0  }
0xa: {  	[sflag:s7] =	ssyncpa.u1 $0x0;
	p0 =	por $0x0, $0x0;
	s8 =	sadd.s32 s9, s8  }
0xb: {  	vm0 =	vmmov $0xffff;
	[sflag:s10] =	ssyncpa.u1 $0x0;
	s10 =	simm.s32 $0x0;
	s9 =	sadd.s32 $0x1, s8  }
.LBB2_4:
0xc: {  	v5 =	vshrl.u32 v1, $0xD;
	v6 =	vshll.u32 v1, $0x7  }
0xd: {  	vm1 =	veq.s32 v1, $0x80000000;
	v58 =	vand.u32 $0x7, v5;
	v59 =	vand.u32 $0xFFF80, v6  }
0xe: {  	v1 =	vsel vm1, $0xFFFFFFFF, v58;
	v5 =	vsel vm1, $0xFFFFFF80, v59  }
0xf: {  	v3 =	vor.u32 v4, v3;
	v60 =	vand.u32 $0xFFFFFC00, v5;
	v61 =	vand.u32 $0xFFFFFC00, v1  }
0x10: {  	v2 =	vor.u32 v2, v3;
	v63 =	vand.u32 $0x380, v5;
	v62 =	vadd.s32 v61, v60  }
0x11: {  	v1 =	vand.u32 $0x7F, v1;
	v3 =	vor.u32 v63, v62  }
0x12: {  	v1 =	vor.u32 v1, v3  }
0x13: {  	[tilespmem:s15], [sflag:$0x1] =	stream.indirect_vreg.gather [hbm4b:s2+s10], $0x1, v0, vm0, $0x4038;
	[tilespmem:$0x200] =	vst v63  }
0x14: {  	(ifvalue) =	ssetifvalue $0x7FFFFFFF  }
0x15: {  	[tilespmem:s16], [sflag:$0x1] =	stream.indirect_vreg.gather [hbm4b:s2+s10], $0x1, v2, vm0, $0x4038;
	[tilespmem:$0x200] =	vst v63  }
0x16: {  	s29 =	sadd.s32 $0x10, s16;
	(ifvalue) =	ssetifvalue $0x7FFFFFFF  }
0x17: {  	[tilespmem:s29], [sflag:$0x1] =	stream.indirect_vreg.gather [hbm4b:s2+s10], $0x1, v1, vm0, $0x4038;
	[tilespmem:$0x200] =	vst v63  }
0x18: {  	_ =	swait.ge [sflag:s6], $0x80  }
0x19: {  	s30 =	sshrl.u32 s13, $0x3;
	[sflag:s6] =	ssyncset.done $0x0  }
0x1a: {  	s31 =	sand.u32 $0x7, s13;
	s15 =	sadd.s32 s5, s30;
	[sflag:s6] =	ssyncadd.s32 $0xFFFFFF80  }
0x1b: {  	[hbm4b:s15+s31] =	stream.linear.scatter [tilespmem:s14], [sflag:$0x3], $0x80, $0x38;
	[tilespmem:$0x200] =	vst v63  }
.LBB2_5:
0x1c: {  	s15 =	sadd.s32 $0x1000, s11  }
0x1d: {  	p2 =	sgt.s32 s15, $0x1FFF  }
0x1e: {  	s15 =	smov.u32 @p2 s3;
	p2 =	sne.s32 s12, s9  }
.Ltmp1:
0x1f: {  	p1 =	slt.u32 s12, $0x2;
	(pc) =	sbr.rel @!p2 .LBB2_6-.Ltmp1, $4  }
0x20: {  	s14 =	simm.s32 @!p1 $0x3  }
0x21: {  	s16 =	sadd.s32 $0x1, s12;
	_ =	swait.ge @!p1 [sflag:s14], $0x80  }
0x22: {  	s13 =	smov.u32 s11;
	p0 =	por !p0, !p0;
	[sflag:s14] =	ssyncset.done @!p1 $0x0  }
0x23: {  	s12 =	smov.u32 s16;
	s11 =	smov.u32 s15;
	[sflag:s14] =	ssyncadd.s32 @!p1 $0xFFFFFF80  }
.LBB2_1:
0x24: {  	p1 =	sge.u32 s12, s8  }
0x25: {  	s14 =	sxor.u32 @!p1 $0xFFFFFFFF, s12  }
0x26: {  	s31 =	sadd.s32 $0xFFFFFFFF, s12;
	s15 =	sshrl.u32 @!p1 s11, $0x3;
	s14 =	sshll.u32 @!p1 s14, $0x7  }
0x27: {  	s16 =	sand.u32 @!p1 $0x7, s11;
	s15 =	sadd.s32 @!p1 s4, s15;
	s14 =	sand.u32 @!p1 $0x80, s14  }
0x28: {  	[tilespmem:s14], [sflag:$0x2] =	stream.linear.gather @!p1 [hbm4b:s15+s16], $0x80, $0x38;
	[tilespmem:$0x200] =	vst v63  }
0x29: {  	p1 =	sge.u32 s31, s8  }
.Ltmp2:
0x2a: {  	_ = 	snop;
	(pc) =	sbr.rel @p1 .LBB2_5-.Ltmp2, $1  }
0x2b: {  	_ =	sdelay $0x3  }
0x2c: {  	s14 =	simm.s32 $0x1  }
0x2d: {  	_ =	swait.ge [sflag:s7], $0x80;
	s14 =	simm.s32 @!p0 $0x0  }
0x2e: {  	[sflag:s7] =	ssyncset.done $0x0;
	s14 =	sshll.u32 s14, $0x7  }
0x2f: {  	[sflag:s7] =	ssyncadd.s32 $0xFFFFFF80;
	(ifvalue) =	ssetifvalue $0x7FFFFFFF;
	v0 =	vld.msk [tilespmem:s14+$0x0 ss:$0x1], $0xffff;
	_ =	sdelay $0x4  }
0x30: {  	s15 =	sadd.s32 $0x10, s14;
	v2 =	vshrl.u32 v0, $0xD;
	v3 =	vshll.u32 v0, $0x7  }
0x31: {  	v1 =	vld.msk [tilespmem:s15+$0x0 ss:$0x1], $0xffff;
	vm1 =	veq.s32 v0, $0x80000000;
	v0 =	vand.u32 $0x7, v2;
	v2 =	vand.u32 $0xFFF80, v3  }
0x32: {  	v0 =	vsel vm1, $0xFFFFFFFF, v0;
	v2 =	vsel vm1, $0xFFFFFF80, v2  }
0x33: {  	v3 =	vand.u32 $0xFFFFFC00, v2;
	v4 =	vand.u32 $0xFFFFFC00, v0  }
0x34: {  	v2 =	vand.u32 $0x380, v2;
	v3 =	vadd.s32 v4, v3  }
0x35: {  	v0 =	vand.u32 $0x7F, v0;
	v2 =	vor.u32 v2, v3  }
0x36: {  	v5 =	vshll.u32 v1, $0x7;
	v4 =	vshrl.u32 v1, $0xD;
	v0 =	vor.u32 v0, v2  }
0x37: {  	s16 =	sshll.u32 s12, $0x7;
	vm1 =	veq.s32 v1, $0x80000000;
	v1 =	vand.u32 $0x7, v4;
	v4 =	vand.u32 $0xFFF80, v5  }
0x38: {  	s16 =	sand.u32 $0x80, s16;
	s18 =	sadd.s32 $0x10, s15;
	v3 =	vsel vm1, $0xFFFFFFFF, v1;
	v4 =	vsel vm1, $0xFFFFFF80, v4  }
0x39: {  	s17 =	simm.s32 $0x20;
	s15 =	sor.u32 $0x100, s14;
	s14 =	sor.u32 $0x100, s16;
	v1 =	vld.msk [tilespmem:s18+$0x0 ss:$0x1], $0xffff;
	v5 =	vand.u32 $0xFFFFFC00, v4;
	v6 =	vand.u32 $0xFFFFFC00, v3  }
0x3a: {  	s16 =	sadd.s32 $0x10, s15;
	s18 =	sadd.s32 $0x10, s18;
	(ifvalue) =	ssetifvalue $0x7FFFFFFF;
	v2 =	vand.u32 $0x7F, v3;
	v4 =	vand.u32 $0x380, v4;
	v3 =	vadd.s32 v6, v5  }
.LBB2_3:
0x3b: {  	[tilespmem:s15], [sflag:$0x1] =	stream.indirect_vreg.gather [hbm4b:s2+s10], $0x1, v0, vm0, $0x4038;
	[tilespmem:$0x200] =	vst v63  }
0x3c: {  	s17 =	sadd.s32 $0x10, s17  }
0x3d: {  	v3 =	vor.u32 v4, v3;
	p1 =	slt.u32 s17, $0x70  }
.Ltmp3:
0x3e: {  	v4 =	vshrl.u32 v1, $0xD;
	v5 =	vshll.u32 v1, $0x7;
	s15 =	smov.u32 s16;
	v0 =	vor.u32 v2, v3;
	v2 =	vmovc v1;
	v1 =	vld.msk [tilespmem:s18+$0x0 ss:$0x1], $0xffff;
	(pc) =	sbr.rel @p1 .LBB2_3-.Ltmp3, $4  }
0x3f: {  	v3 =	vand.u32 $0xFFF80, v5;
	vm1 =	veq.s32 v2, $0x80000000;
	v2 =	vand.u32 $0x7, v4  }
0x40: {  	v4 =	vsel vm1, $0xFFFFFFFF, v2;
	v5 =	vsel vm1, $0xFFFFFF80, v3  }
0x41: {  	v2 =	vand.u32 $0x7F, v4;
	v3 =	vand.u32 $0xFFFFFC00, v5;
	v4 =	vand.u32 $0xFFFFFC00, v4  }
0x42: {  	s16 =	sadd.s32 $0x10, s16;
	s18 =	sadd.s32 $0x10, s18;
	v3 =	vadd.s32 v4, v3;
	v4 =	vand.u32 $0x380, v5;
	(ifvalue) =	ssetifvalue $0x7FFFFFFF  }
.Ltmp4:
0x43: {  	_ = 	snop;
	(pc) =	sbr.rel .LBB2_4-.Ltmp4, $1  }
0x44: {  	_ =	sdelay $0x3  }
.LBB2_6:
0x45: {  	_ =	sfence.sel $0x180000  }
0x46: {  	s2 =	simm.s32 $0x2;
	[bflag:$0x0] =	sbarrier.arrive $0xFFFF  }
0x47: {  	s30 =	simm.s32 $0x3;
	[sflag:s2] =	ssyncpa.u1 $0x1  }
0x48: {  	s31 =	simm.s32 $0x1;
	[sflag:s30] =	ssyncpa.u1 $0x1  }
0x49: {  	[sflag:s31] =	ssyncpa.u1 $0x1  }
0x4a: {  	p0 =	sne.s32 s0, $0x0;
	_ =	strace $0x90000047  }
0x4b: {  	s0 =	sadd.s32 @!p0 $0x100000, s1;
	[bflag:$0x2] =	sbarrier.arrive $0xFFFF  }
0x4c: {  	[sflag:s0] =	ssyncadd.tile.s32 @!p0 $0x1;
	_ =	shalt  }
.Lfunc_end2:
_tile_overlayer_lowered:
.L_overlay_start_2:
0x4d: {  	(tag) =	ssettag $0x2  }
0x4e: {  	s0 =	rddreg [dreg:$0x0];
	s2 =	stileid.u32  }
0x4f: {  	s1 =	rddreg [dreg:$0x1];
	p0 =	sne.s32 s2, $0x0  }
0x50: {  	s3 =	rddreg [dreg:$0x2];
	[bflag:$0x3] =	sbarrier.arrive $0xFFFF;
	s2 =	simm.s32 @!p0 $0x1C01  }
0x51: {  	[timem:s3], [sflag:s2] =	dma.local @!p0 [hbm:s0], s1  }
0x52: {  	s0 =	simm.s32 @!p0 $0x1  }
0x53: {  	_ =	swait.ge @!p0 [sflag:s0], s1  }
0x54: {  	s1 =	ssub.s32 @!p0 $0x0, s1;
	[sflag:s0] =	ssyncset.done @!p0 $0x0  }
0x55: {  	[sflag:s0] =	ssyncadd.s32 @!p0 s1  }
0x56: {  	[bflag:$0x3] =	sbarrier.arrive $0xFFFF  }
0x57: {  	_ =	shalt  }

// kernel: kernel.6.cloned.1.call-start
scs
__scs_entry_jumppad:
0x0: {  	(pc) =	sbr.rel $0x88, $3  }
0x1: {  	(tag) =	ssettag $0x0;
	lr =	simm.s32 $0x1  }
0x2: {  	[smem:$0x3F9C] =	sst lr;
	_ =	strace $0xD0000000  }
0x3: {  	_ = 	snop  }
0x4: {  	_ = 	snop  }
0x5: {  	_ = 	snop  }
0x6: {  	_ = 	snop  }
0x7: {  	_ = 	snop  }
__scs_overlays_trampoline_lowered:
0x8: {  	[smem:$0x3FAB] =	sst s0  }
0x9: {  	[smem:$0x3FAC] =	sst s1  }
0xa: {  	[smem:$0x3FAD] =	sst s2  }
0xb: {  	[smem:$0x3FAE] =	sst s3  }
0xc: {  	[smem:$0x3FAF] =	sst s4  }
0xd: {  	[smem:$0x3FB0] =	sst s5  }
0xe: {  	[smem:$0x3FB1] =	sst s6  }
0xf: {  	[smem:$0x3FB2] =	sst s7  }
0x10: {  	[smem:$0x3FB3] =	sst s8  }
0x11: {  	[smem:$0x3FB4] =	sst s9;
	s0 =	simm.s32 @!p0 $0x0  }
0x12: {  	s1 =	sld [smem:$0x3F9A];
	s0 =	simm.s32 @p0 $0x1  }
0x13: {  	[smem:$0x3FB5] =	sst s0;
	s0 =	simm.s32 @!p1 $0x0  }
0x14: {  	s2 =	sld [smem:$0x3F99];
	s0 =	simm.s32 @p1 $0x1  }
0x15: {  	[smem:$0x3FB6] =	sst s0;
	s0 =	simm.s32 @!p2 $0x0  }
0x16: {  	s3 =	sld [smem:$0x3FDB];
	s0 =	simm.s32 @p2 $0x1  }
0x17: {  	s4 =	simm.s32 $0x1BF5;
	[smem:$0x3FB8] =	sst s0  }
0x18: {  	s0 =	sld [smem:$0x3F9B];
	_ =	swait.ge [sflag:s4], $0x0  }
0x19: {  	s7 =	sld [smem:$0x3F9C]  }
0x1a: {  	s8 =	sadd.s32 $0xFFFFE003, lr  }
0x1b: {  	s9 =	sadd.s32 $0xFFFFFEF7, lr;
	s5 =	simm.s32 $0xFFFFFFFF;
	p2 =	slt.u32 s8, $0xFFFFF086  }
0x1c: {  	p1 =	slt.u32 s9, $0xF7A;
	s5 =	simm.s32 @!p2 $0x0  }
0x1d: {  	s5 =	simm.s32 @p1 $0x1;
	p0 =	seq.s32 s7, s2  }
0x1e: {  	s7 =	smul.u32 @!p0 $0xF7A, s2;
	p2 =	seq.s32 @!p0 s5, $0x0  }
0x1f: {  	s9 =	smul.u32 $0xF7A, s1;
	s8 =	simm.s32 @!p0 $0x1BF5;
	p2 =	por !p2, p0  }
0x20: {  	[sflag:s8] =	ssyncset.s32 @!p0 $0xFFFFF086;
	s6 =	sadd.s32 @!p0 s3, s7;
	s7 =	simm.s32 @!p0 $0x108  }
0x21: {  	s3 =	sadd.s32 s3, s9;
	s6 =	sadd.s32 @!p0 $0x88, s6;
	s7 =	simm.s32 @p2 $0x1082  }
0x22: {  	[simem:s7], [sflag:s8] =	dma.local @!p0 [hbm:s6], $0xF7A  }
0x23: {  	s9 =	sor.u32 $0xD0000000, s2;
	s6 =	simm.s32 $0x108;
	_ =	swait.ge @!p0 [sflag:s8], $0x0  }
0x24: {  	s3 =	sadd.s32 $0x88, s3;
	s6 =	simm.s32 @!p1 $0x1082;
	[sflag:s4] =	ssyncset.s32 $0xFFFFF086  }
0x25: {  	[simem:s6], [sflag:s4] =	dma.local [hbm:s3], $0xF7A  }
0x26: {  	[smem:$0x3F9C] =	sst s1;
	(tag) =	ssettag s2;
	_ =	strace s9  }
0x27: {  	s1 =	sld [smem:$0x3FAC]  }
0x28: {  	s2 =	sld [smem:$0x3FAD]  }
0x29: {  	s4 =	sld [smem:$0x3FAF]  }
0x2a: {  	p0 =	seq.s32 s5, $0x0;
	s5 =	sld [smem:$0x3FB0]  }
0x2b: {  	s6 =	sld [smem:$0x3FB1]  }
0x2c: {  	s7 =	sld [smem:$0x3FB2]  }
0x2d: {  	s3 =	simm.s32 $0x108;
	s8 =	sld [smem:$0x3FB3]  }
0x2e: {  	s3 =	simm.s32 @!p0 $0x1082;
	s9 =	sld [smem:$0x3FB4]  }
0x2f: {  	lr =	sadd.s32 s0, s3;
	s0 =	sld [smem:$0x3FAB]  }
0x30: {  	s3 =	sld [smem:$0x3FAE]  }
0x31: {  	[smem:$0x3FB7] =	sst s10  }
0x32: {  	s10 =	sld [smem:$0x3FB5];
	_ =	sdelay $0x3  }
0x33: {  	p0 =	seq.s32 s10, $0x1;
	s10 =	sld [smem:$0x3FB7];
	_ =	sdelay $0x3  }
0x34: {  	[smem:$0x3FB7] =	sst s10  }
0x35: {  	s10 =	sld [smem:$0x3FB6];
	_ =	sdelay $0x3  }
0x36: {  	p1 =	seq.s32 s10, $0x1;
	s10 =	sld [smem:$0x3FB7];
	_ =	sdelay $0x3  }
0x37: {  	[smem:$0x3FB7] =	sst s10  }
0x38: {  	s10 =	sld [smem:$0x3FB8]  }
0x39: {  	_ = 	snop;
	(pc) =	sbr.ind lr, $3  }
0x3a: {  	_ = 	snop  }
0x3b: {  	_ = 	snop  }
0x3c: {  	p2 =	seq.s32 s10, $0x1;
	s10 =	sld [smem:$0x3FB7]  }
0x3d: {  	_ =	shalt  }
0x3e: {  	_ =	shalt  }
0x3f: {  	_ =	shalt  }
0x40: {  	_ =	shalt  }
0x41: {  	_ =	shalt  }
0x42: {  	_ =	shalt  }
0x43: {  	_ =	shalt  }
0x44: {  	_ =	shalt  }
0x45: {  	_ =	shalt  }
0x46: {  	_ =	shalt  }
0x47: {  	_ =	shalt  }
0x48: {  	_ =	shalt  }
0x49: {  	_ =	shalt  }
0x4a: {  	_ =	shalt  }
0x4b: {  	_ =	shalt  }
0x4c: {  	_ =	shalt  }
0x4d: {  	_ =	shalt  }
0x4e: {  	_ =	shalt  }
0x4f: {  	_ =	shalt  }
0x50: {  	_ =	shalt  }
0x51: {  	_ =	shalt  }
0x52: {  	_ =	shalt  }
0x53: {  	_ =	shalt  }
0x54: {  	_ =	shalt  }
0x55: {  	_ =	shalt  }
0x56: {  	_ =	shalt  }
0x57: {  	_ =	shalt  }
0x58: {  	_ =	shalt  }
0x59: {  	_ =	shalt  }
0x5a: {  	_ =	shalt  }
0x5b: {  	_ =	shalt  }
0x5c: {  	_ =	shalt  }
0x5d: {  	_ =	shalt  }
0x5e: {  	_ =	shalt  }
0x5f: {  	_ =	shalt  }
0x60: {  	_ =	shalt  }
0x61: {  	_ =	shalt  }
0x62: {  	_ =	shalt  }
0x63: {  	_ =	shalt  }
0x64: {  	_ =	shalt  }
0x65: {  	_ =	shalt  }
0x66: {  	_ =	shalt  }
0x67: {  	_ =	shalt  }
0x68: {  	_ =	shalt  }
0x69: {  	_ =	shalt  }
0x6a: {  	_ =	shalt  }
0x6b: {  	_ =	shalt  }
0x6c: {  	_ =	shalt  }
0x6d: {  	_ =	shalt  }
0x6e: {  	_ =	shalt  }
0x6f: {  	_ =	shalt  }
0x70: {  	_ =	shalt  }
0x71: {  	_ =	shalt  }
0x72: {  	_ =	shalt  }
0x73: {  	_ =	shalt  }
0x74: {  	_ =	shalt  }
0x75: {  	_ =	shalt  }
0x76: {  	_ =	shalt  }
0x77: {  	_ =	shalt  }
0x78: {  	_ =	shalt  }
0x79: {  	_ =	shalt  }
0x7a: {  	_ =	shalt  }
0x7b: {  	_ =	shalt  }
0x7c: {  	_ =	shalt  }
0x7d: {  	_ =	shalt  }
0x7e: {  	_ =	shalt  }
0x7f: {  	_ =	shalt  }
0x80: {  	_ =	shalt  }
0x81: {  	_ =	shalt  }
0x82: {  	_ =	shalt  }
0x83: {  	_ =	shalt  }
0x84: {  	_ =	shalt  }
0x85: {  	_ =	shalt  }
0x86: {  	_ =	shalt  }
0x87: {  	_ =	shalt  }
.Lfunc_end0:
.L_simem_size_0:
called_computation.1_lowered:
.L_overlay_start_0:
0x88: {  	s2 =	sld [smem:$0x3FD9]  }
0x89: {  	s3 =	sld [smem:$0x3FFE];
	_ =	sdelay $0x1  }
0x8a: {  	s1 =	srdreg.scid  }
0x8b: {  	s0 =	sand.u32 $0x1, s1  }
0x8c: {  	s14 =	sshll.u32 s0, $0xA;
	s2 =	sadd.s32 s3, s2  }
0x8d: {  	s2 =	sadd.s32 s2, s14  }
0x8e: {  	[smem:$0x3FC3] =	sst s2  }
0x8f: {  	_ = 	snop  }
0x90: {  	s2 =	sld [smem:$0x3FD0];
	_ =	sdelay $0x2  }
0x91: {  	s4 =	simm.s32 $0xA;
	s5 =	simm.s32 $0x10;
	s15 =	sld [smem:$0x3FC9]  }
0x92: {  	[smem:s5], [sflag:s4] =	dma.local [hbm:s2], $0x1  }
0x93: {  	_ =	swait.eq [sflag:s4], $0x1  }
0x94: {  	[sflag:s4] =	ssyncset.done $0x0  }
0x95: {  	[sflag:s4] =	ssyncadd.s32 $0xFFFFFFFF  }
0x96: {  	s16 =	sld [smem:$0x10];
	(tm) =	ssettm $0x1  }
0x97: {  	s17 =	sld [smem:$0x3FFB];
	_ =	sdelay $0x3  }
0x98: {  	_ =	strace s17  }
0x99: {  	s4 =	sld [smem:$0x3FFC];
	_ =	sdelay $0x3  }
0x9a: {  	_ =	strace s4  }
0x9b: {  	s4 =	sld [smem:$0x3FFD];
	_ =	sdelay $0x3  }
0x9c: {  	_ =	strace s4  }
0x9d: {  	_ =	strace $0x8FFFFFFF  }
0x9e: {  	s18 =	sld [smem:$0x3FDB];
	_ =	sdelay $0x1  }
0x9f: {  	s19 =	simm.s32 $_scs_section_size  }
0xa0: {  	s6 =	simm.s32 $_size__tile_overlayer_lowered;
	s7 =	simm.s32 $_tile_overlayer_lowered  }
0xa1: {  	s22 =	simm.s32 $0x1BFF;
	s21 =	sshll.u32 s7, $0x1;
	s4 =	sadd.s32 s19, s18  }
0xa2: {  	s8 =	simm.s32 $0x0;
	s20 =	sshll.u32 s6, $0x1;
	s6 =	sadd.s32 s21, s4  }
0xa3: {  	[timem:s8], [sflag:s22] =	dma.local [hbm:s6], s20  }
0xa4: {  	_ =	swait.ge [sflag:s22], s20  }
0xa5: {  	s5 =	ssub.s32 $0x0, s20;
	[sflag:s22] =	ssyncset.done $0x0  }
0xa6: {  	[sflag:s22] =	ssyncadd.s32 s5;
	_ =	sdelay $0x1  }
0xa7: {  	s23 =	simm.s32 $0x1B8B  }
0xa8: {  	_ =	swait.ge [sflag:s23], $0x1  }
0xa9: {  	[sflag:s23] =	ssyncset.done $0x0  }
0xaa: {  	s25 =	simm.s32 $0x1B8E;
	s24 =	sld [smem:$0x3FFE];
	[sflag:s23] =	ssyncadd.s32 $0xFFFFFFFF  }
0xab: {  	s26 =	simm.s32 $execute0_lowered;
	[smem:$0x3FD2] =	sst s25  }
0xac: {  	s6 =	sshll.u32 s26, $0x1;
	_ =	strace $0x80000049;
	[dreg:$0x1] =	wrdreg $0xFFFFFFFF  }
0xad: {  	s28 =	simm.s32 $_size_execute0_lowered;
	s4 =	sadd.s32 s4, s6;
	[dreg:$0x0] =	wrdreg $0x0  }
0xae: {  	s6 =	sshll.u32 s28, $0x1;
	[dreg:$0x2] =	wrdreg s4  }
0xaf: {  	[dreg:$0x3] =	wrdreg s6  }
0xb0: {  	[dreg:$0x4] =	wrdreg $0xC0  }
0xb1: {  	_ =	task [dreg:s8], $0x5FFFF  }
0xb2: {  	[dreg:$0x1] =	wrdreg $0xFFFFFFFF  }
0xb3: {  	[dreg:$0x0] =	wrdreg $0x60  }
0xb4: {  	[dreg:$0x2] =	wrdreg s15  }
0xb5: {  	[dreg:$0x3] =	wrdreg s16  }
0xb6: {  	[dreg:$0x4] =	wrdreg s24  }
0xb7: {  	[dreg:$0x5] =	wrdreg $0x9  }
0xb8: {  	_ =	task.clear_ibuf [dreg:s8], $0x6FFFF;
	_ =	strace $0x90000049  }
0xb9: {  	s29 =	simm.s32 $0x9;
	_ =	strace $0x8000004B  }
0xba: {  	_ =	swait.ge [sflag:s29], $0x1  }
0xbb: {  	[sflag:s29] =	ssyncadd.s32 $0xFFFFFFFF  }
0xbc: {  	_ =	strace $0x9000004B  }
0xbd: {  	_ =	sfence  }
0xbe: {  	s30 =	sld [smem:$0x0];
	_ =	sdelay $0x2  }
0xbf: {  	s31 =	sshll.u32 s1, $0xD;
	s1 =	sshrl.u32 s1, $0x2  }
0xc0: {  	s3 =	sand.u32 $0x4000, s31;
	s1 =	sadd.s32 s1, s30  }
0xc1: {  	s0 =	sor.u32 s3, s0;
	s1 =	sshll.u32 s1, $0x11  }
0xc2: {  	s0 =	sor.u32 s1, s0  }
0xc3: {  	s0 =	sadd.s32 $0x8F2B, s0  }
0xc4: {  	[sflag:s0] =	ssyncadd.remote.s32 $0x1  }
0xc5: {  	_ =	sfence.sel $0xFFFF  }
0xc6: {  	[dreg:$0x0] =	wrdreg $0xFFFFFFFF;
	(pc) =	sbr.abs _section_cstart, $3  }
0xc7: {  	[dreg:$0x1] =	wrdreg $0xFFFFFFFF  }
0xc8: {  	_ =	task.clear_ibuf [dreg:s8], $0x2FFFF;
	_ =	strace $0x9FFFFFFF  }
0xc9: {  	(tm) =	ssettm $0x7FFFFFFF  }
tec
execute0_lowered:
.L_overlay_start_1:
0x0: {  	(tag) =	ssettag $0x1  }
0x1: {  	s2 =	rddreg [dreg:$0x0]  }
0x2: {  	s0 =	srdreg.scid;
	s4 =	rddreg [dreg:$0x1]  }
0x3: {  	s1 =	stileid.u32;
	s5 =	rddreg [dreg:$0x2]  }
0x4: {  	s3 =	simm.s32 $0x0;
	s9 =	simm.s32 $0x2;
	s7 =	simm.s32 $0x180  }
0x5: {  	s11 =	simm.s32 $0xD980;
	s12 =	simm.s32 $0xE180;
	s13 =	simm.s32 $0xE980  }
0x6: {  	s14 =	simm.s32 $0xF180;
	s0 =	sand.u32 $0x1, s0;
	s1 =	sshll.u32 s1, $0x1  }
0x7: {  	s15 =	simm.s32 $0xF980;
	s16 =	simm.s32 $0x10180;
	s1 =	sor.u32 s0, s1  }
0x8: {  	s17 =	simm.s32 $0x10980;
	s18 =	simm.s32 $0x11180;
	s1 =	smul.u32 $0x140, s1  }
0x9: {  	s19 =	simm.s32 $0x11980;
	s20 =	simm.s32 $0x12180;
	s28 =	simm.s32 $0x15980  }
0xa: {  	s29 =	simm.s32 $0x16180;
	s30 =	simm.s32 $0x16980;
	s1 =	sshrl.u32 s1, $0x3  }
0xb: {  	[smem:$0x7FF] =	sst s3;
	s0 =	ssub.s32 $0x2, s0;
	s6 =	smul.u32 $0x300, s1  }
0xc: {  	s31 =	simm.s32 $0x17180;
	_ =	strace $0x8000004A;
	s23 =	sshrl.u32 s0, $0x1  }
0xd: {  	s0 =	ssub.s32 s0, s23;
	s1 =	sadd.s32 s4, s1;
	s5 =	sadd.s32 s6, s5  }
0xe: {  	s23 =	simm.s32 $0x13980;
	[dreg:$0x4] =	wrdreg s1;
	s21 =	sadd.s32 $0x1200, s5  }
0xf: {  	s4 =	sadd.s32 $0x100, s2;
	s22 =	sadd.s32 $0x2A00, s5;
	[dreg:$0x5] =	wrdreg s21  }
0x10: {  	s6 =	smax.u32 s0, $0x1;
	s24 =	sadd.s32 $0x4200, s5;
	[dreg:$0x6] =	wrdreg s22  }
0x11: {  	s0 =	simm.s32 $0x1;
	s25 =	sadd.s32 $0x5A00, s5;
	[dreg:$0x7] =	wrdreg s24  }
0x12: {  	v2 =	vlaneseq.u32;
	s26 =	sadd.s32 $0x7200, s5;
	s5 =	sadd.s32 $0x200, s2;
	[dreg:$0x8] =	wrdreg s25  }
0x13: {  	vm0 =	vmmov $0xffff;
	v1 =	vshrl.u32 v2, $0x3;
	[dreg:$0x9] =	wrdreg s26;
	s21 =	simm.s32 $0x12980;
	s22 =	simm.s32 $0x13180  }
0x14: {  	v0 =	vand.u32 $0x7, v2;
	v2 =	vor.u32 $0x8, v2;
	v1 =	vmul.u32 $0x8, v1;
	s24 =	simm.s32 $0x14180;
	s25 =	simm.s32 $0x14980;
	s26 =	simm.s32 $0x15180  }
.LBB2_1:
0x15: {  	s10 =	rddreg [dreg:$0x4];
	s1 =	simm.s32 $0x3  }
0x16: {  	[tilespmem:s3], [sflag:$0x3] =	stream.linear.gather [hbm4b:s10+s3], $0x140, $0x38;
	[tilespmem:$0x18180] =	vst v63  }
0x17: {  	_ =	swait.ge [sflag:s1], $0x140  }
0x18: {  	[sflag:s1] =	ssyncset.done $0x0  }
0x19: {  	[sflag:s1] =	ssyncadd.s32 $0xFFFFFEC0  }
0x1a: {  	v3 =	vld [tilespmem:$0x0];
	_ =	sdelay $0x4  }
0x1b: {  	v4 =	vshrl.u32 v3, $0x3  }
0x1c: {  	v4 =	vmul.u32 $0x30, v4  }
0x1d: {  	v3 =	vand.u32 $0x7, v3  }
0x1e: {  	v3 =	vor.u32 v3, v4  }
0x1f: {  	v4 =	vperm.xlane v3, v0;
	_ =	sdelay $0x1  }
0x20: {  	v4 =	vadd.s32 v1, v4;
	_ =	sdelay $0x3  }
0x21: {  	v3 =	vperm.xlane v3, v2  }
0x22: {  	[tilespmem:s7], [sflag:$0x1] =	stream.indirect_vreg.gather [hbm4b:s2+s3], $0x80, v4, vm0, $0xb8;
	[tilespmem:$0x18180] =	vst v63  }
0x23: {  	s1 =	simm.s32 $0x980;
	v3 =	vadd.s32 v1, v3  }
0x24: {  	[tilespmem:s1], [sflag:$0x1] =	stream.indirect_vreg.gather [hbm4b:s4+s3], $0x80, v4, vm0, $0xb8;
	[tilespmem:$0x18180] =	vst v63  }
0x25: {  	s8 =	simm.s32 $0x1180  }
0x26: {  	[tilespmem:s8], [sflag:$0x1] =	stream.indirect_vreg.gather [hbm4b:s5+s3], $0x80, v4, vm0, $0xb8;
	[tilespmem:$0x18180] =	vst v63  }
0x27: {  	s10 =	simm.s32 $0x1980  }
0x28: {  	[tilespmem:s10], [sflag:$0x1] =	stream.indirect_vreg.gather [hbm4b:s2+s3], $0x80, v3, vm0, $0xb8;
	[tilespmem:$0x18180] =	vst v63  }
0x29: {  	s8 =	simm.s32 $0x2180  }
0x2a: {  	[tilespmem:s8], [sflag:$0x1] =	stream.indirect_vreg.gather [hbm4b:s4+s3], $0x80, v3, vm0, $0xb8;
	[tilespmem:$0x18180] =	vst v63  }
0x2b: {  	s10 =	simm.s32 $0x2980  }
0x2c: {  	[tilespmem:s10], [sflag:$0x1] =	stream.indirect_vreg.gather [hbm4b:s5+s3], $0x80, v3, vm0, $0xb8;
	[tilespmem:$0x18180] =	vst v63  }
0x2d: {  	v3 =	vld [tilespmem:$0x10];
	_ =	sdelay $0x4  }
0x2e: {  	v45 =	vshrl.u32 v3, $0x3  }
0x2f: {  	v4 =	vmul.u32 $0x30, v45  }
0x30: {  	v3 =	vand.u32 $0x7, v3  }
0x31: {  	v3 =	vor.u32 v3, v4  }
0x32: {  	v4 =	vperm.xlane v3, v0;
	_ =	sdelay $0x1  }
0x33: {  	v4 =	vadd.s32 v1, v4;
	_ =	sdelay $0x3  }
0x34: {  	s8 =	simm.s32 $0x3180;
	v3 =	vperm.xlane v3, v2  }
0x35: {  	[tilespmem:s8], [sflag:$0x1] =	stream.indirect_vreg.gather [hbm4b:s2+s3], $0x80, v4, vm0, $0xb8;
	[tilespmem:$0x18180] =	vst v63  }
0x36: {  	s10 =	simm.s32 $0x3980;
	v3 =	vadd.s32 v1, v3  }
0x37: {  	[tilespmem:s10], [sflag:$0x1] =	stream.indirect_vreg.gather [hbm4b:s4+s3], $0x80, v4, vm0, $0xb8;
	[tilespmem:$0x18180] =	vst v63  }
0x38: {  	s8 =	simm.s32 $0x4180  }
0x39: {  	[tilespmem:s8], [sflag:$0x1] =	stream.indirect_vreg.gather [hbm4b:s5+s3], $0x80, v4, vm0, $0xb8;
	[tilespmem:$0x18180] =	vst v63  }
0x3a: {  	s10 =	simm.s32 $0x4980  }
0x3b: {  	[tilespmem:s10], [sflag:$0x1] =	stream.indirect_vreg.gather [hbm4b:s2+s3], $0x80, v3, vm0, $0xb8;
	[tilespmem:$0x18180] =	vst v63  }
0x3c: {  	s8 =	simm.s32 $0x5180  }
0x3d: {  	[tilespmem:s8], [sflag:$0x1] =	stream.indirect_vreg.gather [hbm4b:s4+s3], $0x80, v3, vm0, $0xb8;
	[tilespmem:$0x18180] =	vst v63  }
0x3e: {  	s10 =	simm.s32 $0x5980  }
0x3f: {  	[tilespmem:s10], [sflag:$0x1] =	stream.indirect_vreg.gather [hbm4b:s5+s3], $0x80, v3, vm0, $0xb8;
	[tilespmem:$0x18180] =	vst v63  }
0x40: {  	v3 =	vld [tilespmem:$0x20];
	_ =	sdelay $0x4  }
0x41: {  	v46 =	vshrl.u32 v3, $0x3  }
0x42: {  	v4 =	vmul.u32 $0x30, v46  }
0x43: {  	v3 =	vand.u32 $0x7, v3  }
0x44: {  	v3 =	vor.u32 v3, v4  }
0x45: {  	v4 =	vperm.xlane v3, v0;
	_ =	sdelay $0x1  }
0x46: {  	v4 =	vadd.s32 v1, v4;
	_ =	sdelay $0x3  }
0x47: {  	s8 =	simm.s32 $0x6180;
	v3 =	vperm.xlane v3, v2  }
0x48: {  	[tilespmem:s8], [sflag:$0x1] =	stream.indirect_vreg.gather [hbm4b:s2+s3], $0x80, v4, vm0, $0xb8;
	[tilespmem:$0x18180] =	vst v63  }
0x49: {  	s10 =	simm.s32 $0x6980;
	v3 =	vadd.s32 v1, v3  }
0x4a: {  	[tilespmem:s10], [sflag:$0x1] =	stream.indirect_vreg.gather [hbm4b:s4+s3], $0x80, v4, vm0, $0xb8;
	[tilespmem:$0x18180] =	vst v63  }
0x4b: {  	s8 =	simm.s32 $0x7180  }
0x4c: {  	[tilespmem:s8], [sflag:$0x1] =	stream.indirect_vreg.gather [hbm4b:s5+s3], $0x80, v4, vm0, $0xb8;
	[tilespmem:$0x18180] =	vst v63  }
0x4d: {  	s10 =	simm.s32 $0x7980  }
0x4e: {  	[tilespmem:s10], [sflag:$0x1] =	stream.indirect_vreg.gather [hbm4b:s2+s3], $0x80, v3, vm0, $0xb8;
	[tilespmem:$0x18180] =	vst v63  }
0x4f: {  	s8 =	simm.s32 $0x8180  }
0x50: {  	[tilespmem:s8], [sflag:$0x1] =	stream.indirect_vreg.gather [hbm4b:s4+s3], $0x80, v3, vm0, $0xb8;
	[tilespmem:$0x18180] =	vst v63  }
0x51: {  	s10 =	simm.s32 $0x8980  }
0x52: {  	[tilespmem:s10], [sflag:$0x1] =	stream.indirect_vreg.gather [hbm4b:s5+s3], $0x80, v3, vm0, $0xb8;
	[tilespmem:$0x18180] =	vst v63  }
0x53: {  	v3 =	vld [tilespmem:$0x30];
	_ =	sdelay $0x4  }
0x54: {  	v47 =	vshrl.u32 v3, $0x3  }
0x55: {  	v4 =	vmul.u32 $0x30, v47  }
0x56: {  	v3 =	vand.u32 $0x7, v3  }
0x57: {  	v3 =	vor.u32 v3, v4  }
0x58: {  	v4 =	vperm.xlane v3, v0;
	_ =	sdelay $0x1  }
0x59: {  	v4 =	vadd.s32 v1, v4;
	_ =	sdelay $0x3  }
0x5a: {  	s8 =	simm.s32 $0x9180;
	v3 =	vperm.xlane v3, v2  }
0x5b: {  	[tilespmem:s8], [sflag:$0x1] =	stream.indirect_vreg.gather [hbm4b:s2+s3], $0x80, v4, vm0, $0xb8;
	[tilespmem:$0x18180] =	vst v63  }
0x5c: {  	s10 =	simm.s32 $0x9980;
	v3 =	vadd.s32 v1, v3  }
0x5d: {  	[tilespmem:s10], [sflag:$0x1] =	stream.indirect_vreg.gather [hbm4b:s4+s3], $0x80, v4, vm0, $0xb8;
	[tilespmem:$0x18180] =	vst v63  }
0x5e: {  	s8 =	simm.s32 $0xA180  }
0x5f: {  	[tilespmem:s8], [sflag:$0x1] =	stream.indirect_vreg.gather [hbm4b:s5+s3], $0x80, v4, vm0, $0xb8;
	[tilespmem:$0x18180] =	vst v63  }
0x60: {  	s10 =	simm.s32 $0xA980  }
0x61: {  	[tilespmem:s10], [sflag:$0x1] =	stream.indirect_vreg.gather [hbm4b:s2+s3], $0x80, v3, vm0, $0xb8;
	[tilespmem:$0x18180] =	vst v63  }
0x62: {  	s8 =	simm.s32 $0xB180  }
0x63: {  	[tilespmem:s8], [sflag:$0x1] =	stream.indirect_vreg.gather [hbm4b:s4+s3], $0x80, v3, vm0, $0xb8;
	[tilespmem:$0x18180] =	vst v63  }
0x64: {  	s10 =	simm.s32 $0xB980  }
0x65: {  	[tilespmem:s10], [sflag:$0x1] =	stream.indirect_vreg.gather [hbm4b:s5+s3], $0x80, v3, vm0, $0xb8;
	[tilespmem:$0x18180] =	vst v63  }
0x66: {  	_ =	swait.ge [sflag:s0], $0xC000  }
0x67: {  	[sflag:s0] =	ssyncset.done $0x0  }
0x68: {  	s8 =	rddreg [dreg:$0x5];
	[sflag:s0] =	ssyncadd.s32 $0xFFFF4000  }
0x69: {  	[hbm4b:s8+s3] =	stream.linear.scatter [tilespmem:s7], [sflag:$0x2], $0xC000, $0x38;
	[tilespmem:$0x18180] =	vst v63  }
0x6a: {  	v3 =	vld [tilespmem:$0x40];
	_ =	sdelay $0x4  }
0x6b: {  	v48 =	vshrl.u32 v3, $0x3  }
0x6c: {  	v4 =	vmul.u32 $0x30, v48  }
0x6d: {  	v3 =	vand.u32 $0x7, v3  }
0x6e: {  	v3 =	vor.u32 v3, v4  }
0x6f: {  	v4 =	vperm.xlane v3, v0;
	_ =	sdelay $0x1  }
0x70: {  	v4 =	vadd.s32 v1, v4;
	_ =	sdelay $0x3  }
0x71: {  	s1 =	simm.s32 $0xC180;
	v3 =	vperm.xlane v3, v2  }
0x72: {  	[tilespmem:s1], [sflag:$0x1] =	stream.indirect_vreg.gather [hbm4b:s2+s3], $0x80, v4, vm0, $0xb8;
	[tilespmem:$0x18180] =	vst v63  }
0x73: {  	s8 =	simm.s32 $0xC980;
	v3 =	vadd.s32 v1, v3  }
0x74: {  	[tilespmem:s8], [sflag:$0x1] =	stream.indirect_vreg.gather [hbm4b:s4+s3], $0x80, v4, vm0, $0xb8;
	[tilespmem:$0x18180] =	vst v63  }
0x75: {  	s8 =	simm.s32 $0xD180  }
0x76: {  	[tilespmem:s8], [sflag:$0x1] =	stream.indirect_vreg.gather [hbm4b:s5+s3], $0x80, v4, vm0, $0xb8;
	[tilespmem:$0x18180] =	vst v63  }
0x77: {  	_ = 	snop  }
0x78: {  	[tilespmem:s11], [sflag:$0x1] =	stream.indirect_vreg.gather [hbm4b:s2+s3], $0x80, v3, vm0, $0xb8;
	[tilespmem:$0x18180] =	vst v63  }
0x79: {  	_ = 	snop  }
0x7a: {  	[tilespmem:s12], [sflag:$0x1] =	stream.indirect_vreg.gather [hbm4b:s4+s3], $0x80, v3, vm0, $0xb8;
	[tilespmem:$0x18180] =	vst v63  }
0x7b: {  	_ = 	snop  }
0x7c: {  	[tilespmem:s13], [sflag:$0x1] =	stream.indirect_vreg.gather [hbm4b:s5+s3], $0x80, v3, vm0, $0xb8;
	[tilespmem:$0x18180] =	vst v63  }
0x7d: {  	v3 =	vld [tilespmem:$0x50];
	_ =	sdelay $0x4  }
0x7e: {  	v49 =	vshrl.u32 v3, $0x3  }
0x7f: {  	v4 =	vmul.u32 $0x30, v49  }
0x80: {  	v3 =	vand.u32 $0x7, v3  }
0x81: {  	v3 =	vor.u32 v3, v4  }
0x82: {  	v4 =	vperm.xlane v3, v0;
	_ =	sdelay $0x1  }
0x83: {  	v4 =	vadd.s32 v1, v4;
	_ =	sdelay $0x3  }
0x84: {  	v3 =	vperm.xlane v3, v2  }
0x85: {  	[tilespmem:s14], [sflag:$0x1] =	stream.indirect_vreg.gather [hbm4b:s2+s3], $0x80, v4, vm0, $0xb8;
	[tilespmem:$0x18180] =	vst v63  }
0x86: {  	v3 =	vadd.s32 v1, v3  }
0x87: {  	[tilespmem:s15], [sflag:$0x1] =	stream.indirect_vreg.gather [hbm4b:s4+s3], $0x80, v4, vm0, $0xb8;
	[tilespmem:$0x18180] =	vst v63  }
0x88: {  	_ = 	snop  }
0x89: {  	[tilespmem:s16], [sflag:$0x1] =	stream.indirect_vreg.gather [hbm4b:s5+s3], $0x80, v4, vm0, $0xb8;
	[tilespmem:$0x18180] =	vst v63  }
0x8a: {  	_ = 	snop  }
0x8b: {  	[tilespmem:s17], [sflag:$0x1] =	stream.indirect_vreg.gather [hbm4b:s2+s3], $0x80, v3, vm0, $0xb8;
	[tilespmem:$0x18180] =	vst v63  }
0x8c: {  	_ = 	snop  }
0x8d: {  	[tilespmem:s18], [sflag:$0x1] =	stream.indirect_vreg.gather [hbm4b:s4+s3], $0x80, v3, vm0, $0xb8;
	[tilespmem:$0x18180] =	vst v63  }
0x8e: {  	_ = 	snop  }
0x8f: {  	[tilespmem:s19], [sflag:$0x1] =	stream.indirect_vreg.gather [hbm4b:s5+s3], $0x80, v3, vm0, $0xb8;
	[tilespmem:$0x18180] =	vst v63  }
0x90: {  	v3 =	vld [tilespmem:$0x60];
	_ =	sdelay $0x4  }
0x91: {  	v50 =	vshrl.u32 v3, $0x3  }
0x92: {  	v4 =	vmul.u32 $0x30, v50  }
0x93: {  	v3 =	vand.u32 $0x7, v3  }
0x94: {  	v3 =	vor.u32 v3, v4  }
0x95: {  	v4 =	vperm.xlane v3, v0;
	_ =	sdelay $0x1  }
0x96: {  	v4 =	vadd.s32 v1, v4;
	_ =	sdelay $0x3  }
0x97: {  	v3 =	vperm.xlane v3, v2  }
0x98: {  	[tilespmem:s20], [sflag:$0x1] =	stream.indirect_vreg.gather [hbm4b:s2+s3], $0x80, v4, vm0, $0xb8;
	[tilespmem:$0x18180] =	vst v63  }
0x99: {  	v3 =	vadd.s32 v1, v3  }
0x9a: {  	[tilespmem:s21], [sflag:$0x1] =	stream.indirect_vreg.gather [hbm4b:s4+s3], $0x80, v4, vm0, $0xb8;
	[tilespmem:$0x18180] =	vst v63  }
0x9b: {  	_ = 	snop  }
0x9c: {  	[tilespmem:s22], [sflag:$0x1] =	stream.indirect_vreg.gather [hbm4b:s5+s3], $0x80, v4, vm0, $0xb8;
	[tilespmem:$0x18180] =	vst v63  }
0x9d: {  	_ = 	snop  }
0x9e: {  	[tilespmem:s23], [sflag:$0x1] =	stream.indirect_vreg.gather [hbm4b:s2+s3], $0x80, v3, vm0, $0xb8;
	[tilespmem:$0x18180] =	vst v63  }
0x9f: {  	_ = 	snop  }
0xa0: {  	[tilespmem:s24], [sflag:$0x1] =	stream.indirect_vreg.gather [hbm4b:s4+s3], $0x80, v3, vm0, $0xb8;
	[tilespmem:$0x18180] =	vst v63  }
0xa1: {  	_ = 	snop  }
0xa2: {  	[tilespmem:s25], [sflag:$0x1] =	stream.indirect_vreg.gather [hbm4b:s5+s3], $0x80, v3, vm0, $0xb8;
	[tilespmem:$0x18180] =	vst v63  }
0xa3: {  	v3 =	vld [tilespmem:$0x70];
	_ =	sdelay $0x4  }
0xa4: {  	v51 =	vshrl.u32 v3, $0x3  }
0xa5: {  	v4 =	vmul.u32 $0x30, v51  }
0xa6: {  	v3 =	vand.u32 $0x7, v3  }
0xa7: {  	v3 =	vor.u32 v3, v4  }
0xa8: {  	v4 =	vperm.xlane v3, v0;
	_ =	sdelay $0x1  }
0xa9: {  	v4 =	vadd.s32 v1, v4;
	_ =	sdelay $0x3  }
0xaa: {  	v3 =	vperm.xlane v3, v2  }
0xab: {  	[tilespmem:s26], [sflag:$0x1] =	stream.indirect_vreg.gather [hbm4b:s2+s3], $0x80, v4, vm0, $0xb8;
	[tilespmem:$0x18180] =	vst v63  }
0xac: {  	v3 =	vadd.s32 v1, v3  }
0xad: {  	[tilespmem:s28], [sflag:$0x1] =	stream.indirect_vreg.gather [hbm4b:s4+s3], $0x80, v4, vm0, $0xb8;
	[tilespmem:$0x18180] =	vst v63  }
0xae: {  	_ = 	snop  }
0xaf: {  	[tilespmem:s29], [sflag:$0x1] =	stream.indirect_vreg.gather [hbm4b:s5+s3], $0x80, v4, vm0, $0xb8;
	[tilespmem:$0x18180] =	vst v63  }
0xb0: {  	_ = 	snop  }
0xb1: {  	[tilespmem:s30], [sflag:$0x1] =	stream.indirect_vreg.gather [hbm4b:s2+s3], $0x80, v3, vm0, $0xb8;
	[tilespmem:$0x18180] =	vst v63  }
0xb2: {  	_ = 	snop  }
0xb3: {  	[tilespmem:s31], [sflag:$0x1] =	stream.indirect_vreg.gather [hbm4b:s4+s3], $0x80, v3, vm0, $0xb8;
	[tilespmem:$0x18180] =	vst v63  }
0xb4: {  	s10 =	simm.s32 $0x17980  }
0xb5: {  	[tilespmem:s10], [sflag:$0x1] =	stream.indirect_vreg.gather [hbm4b:s5+s3], $0x80, v3, vm0, $0xb8;
	[tilespmem:$0x18180] =	vst v63  }
0xb6: {  	_ =	swait.ge [sflag:s0], $0xC000  }
0xb7: {  	[sflag:s0] =	ssyncset.done $0x0  }
0xb8: {  	[sflag:s0] =	ssyncadd.s32 $0xFFFF4000  }
0xb9: {  	_ =	swait.ge [sflag:s9], $0xC000  }
0xba: {  	[sflag:s9] =	ssyncset.done $0x0  }
0xbb: {  	s10 =	rddreg [dreg:$0x6];
	[sflag:s9] =	ssyncadd.s32 $0xFFFF4000  }
0xbc: {  	[hbm4b:s10+s3] =	stream.linear.scatter [tilespmem:s1], [sflag:$0x2], $0xC000, $0x38;
	[tilespmem:$0x18180] =	vst v63  }
0xbd: {  	v3 =	vld [tilespmem:$0x80];
	_ =	sdelay $0x4  }
0xbe: {  	v52 =	vshrl.u32 v3, $0x3  }
0xbf: {  	v4 =	vmul.u32 $0x30, v52  }
0xc0: {  	v3 =	vand.u32 $0x7, v3  }
0xc1: {  	v3 =	vor.u32 v3, v4  }
0xc2: {  	v4 =	vperm.xlane v3, v0;
	_ =	sdelay $0x1  }
0xc3: {  	v4 =	vadd.s32 v1, v4;
	_ =	sdelay $0x3  }
0xc4: {  	v3 =	vperm.xlane v3, v2  }
0xc5: {  	[tilespmem:s7], [sflag:$0x1] =	stream.indirect_vreg.gather [hbm4b:s2+s3], $0x80, v4, vm0, $0xb8;
	[tilespmem:$0x18180] =	vst v63  }
0xc6: {  	s10 =	simm.s32 $0x980;
	v3 =	vadd.s32 v1, v3  }
0xc7: {  	[tilespmem:s10], [sflag:$0x1] =	stream.indirect_vreg.gather [hbm4b:s4+s3], $0x80, v4, vm0, $0xb8;
	[tilespmem:$0x18180] =	vst v63  }
0xc8: {  	s10 =	simm.s32 $0x1180  }
0xc9: {  	[tilespmem:s10], [sflag:$0x1] =	stream.indirect_vreg.gather [hbm4b:s5+s3], $0x80, v4, vm0, $0xb8;
	[tilespmem:$0x18180] =	vst v63  }
0xca: {  	s10 =	simm.s32 $0x1980  }
0xcb: {  	[tilespmem:s10], [sflag:$0x1] =	stream.indirect_vreg.gather [hbm4b:s2+s3], $0x80, v3, vm0, $0xb8;
	[tilespmem:$0x18180] =	vst v63  }
0xcc: {  	s10 =	simm.s32 $0x2180  }
0xcd: {  	[tilespmem:s10], [sflag:$0x1] =	stream.indirect_vreg.gather [hbm4b:s4+s3], $0x80, v3, vm0, $0xb8;
	[tilespmem:$0x18180] =	vst v63  }
0xce: {  	s10 =	simm.s32 $0x2980  }
0xcf: {  	[tilespmem:s10], [sflag:$0x1] =	stream.indirect_vreg.gather [hbm4b:s5+s3], $0x80, v3, vm0, $0xb8;
	[tilespmem:$0x18180] =	vst v63  }
0xd0: {  	v3 =	vld [tilespmem:$0x90];
	_ =	sdelay $0x4  }
0xd1: {  	v53 =	vshrl.u32 v3, $0x3  }
0xd2: {  	v4 =	vmul.u32 $0x30, v53  }
0xd3: {  	v3 =	vand.u32 $0x7, v3  }
0xd4: {  	v3 =	vor.u32 v3, v4  }
0xd5: {  	v4 =	vperm.xlane v3, v0;
	_ =	sdelay $0x1  }
0xd6: {  	v4 =	vadd.s32 v1, v4;
	_ =	sdelay $0x3  }
0xd7: {  	s10 =	simm.s32 $0x3180;
	v3 =	vperm.xlane v3, v2  }
0xd8: {  	[tilespmem:s10], [sflag:$0x1] =	stream.indirect_vreg.gather [hbm4b:s2+s3], $0x80, v4, vm0, $0xb8;
	[tilespmem:$0x18180] =	vst v63  }
0xd9: {  	v3 =	vadd.s32 v1, v3;
	s10 =	simm.s32 $0x3980  }
0xda: {  	[tilespmem:s10], [sflag:$0x1] =	stream.indirect_vreg.gather [hbm4b:s4+s3], $0x80, v4, vm0, $0xb8;
	[tilespmem:$0x18180] =	vst v63  }
0xdb: {  	s10 =	simm.s32 $0x4180  }
0xdc: {  	[tilespmem:s10], [sflag:$0x1] =	stream.indirect_vreg.gather [hbm4b:s5+s3], $0x80, v4, vm0, $0xb8;
	[tilespmem:$0x18180] =	vst v63  }
0xdd: {  	s10 =	simm.s32 $0x4980  }
0xde: {  	[tilespmem:s10], [sflag:$0x1] =	stream.indirect_vreg.gather [hbm4b:s2+s3], $0x80, v3, vm0, $0xb8;
	[tilespmem:$0x18180] =	vst v63  }
0xdf: {  	s10 =	simm.s32 $0x5180  }
0xe0: {  	[tilespmem:s10], [sflag:$0x1] =	stream.indirect_vreg.gather [hbm4b:s4+s3], $0x80, v3, vm0, $0xb8;
	[tilespmem:$0x18180] =	vst v63  }
0xe1: {  	s10 =	simm.s32 $0x5980  }
0xe2: {  	[tilespmem:s10], [sflag:$0x1] =	stream.indirect_vreg.gather [hbm4b:s5+s3], $0x80, v3, vm0, $0xb8;
	[tilespmem:$0x18180] =	vst v63  }
0xe3: {  	v3 =	vld [tilespmem:$0xA0];
	_ =	sdelay $0x4  }
0xe4: {  	v54 =	vshrl.u32 v3, $0x3  }
0xe5: {  	v4 =	vmul.u32 $0x30, v54  }
0xe6: {  	v3 =	vand.u32 $0x7, v3  }
0xe7: {  	v3 =	vor.u32 v3, v4  }
0xe8: {  	v4 =	vperm.xlane v3, v0;
	_ =	sdelay $0x1  }
0xe9: {  	v4 =	vadd.s32 v1, v4;
	_ =	sdelay $0x3  }
0xea: {  	s10 =	simm.s32 $0x6180;
	v3 =	vperm.xlane v3, v2  }
0xeb: {  	[tilespmem:s10], [sflag:$0x1] =	stream.indirect_vreg.gather [hbm4b:s2+s3], $0x80, v4, vm0, $0xb8;
	[tilespmem:$0x18180] =	vst v63  }
0xec: {  	v3 =	vadd.s32 v1, v3;
	s10 =	simm.s32 $0x6980  }
0xed: {  	[tilespmem:s10], [sflag:$0x1] =	stream.indirect_vreg.gather [hbm4b:s4+s3], $0x80, v4, vm0, $0xb8;
	[tilespmem:$0x18180] =	vst v63  }
0xee: {  	s10 =	simm.s32 $0x7180  }
0xef: {  	[tilespmem:s10], [sflag:$0x1] =	stream.indirect_vreg.gather [hbm4b:s5+s3], $0x80, v4, vm0, $0xb8;
	[tilespmem:$0x18180] =	vst v63  }
0xf0: {  	s10 =	simm.s32 $0x7980  }
0xf1: {  	[tilespmem:s10], [sflag:$0x1] =	stream.indirect_vreg.gather [hbm4b:s2+s3], $0x80, v3, vm0, $0xb8;
	[tilespmem:$0x18180] =	vst v63  }
0xf2: {  	s10 =	simm.s32 $0x8180  }
0xf3: {  	[tilespmem:s10], [sflag:$0x1] =	stream.indirect_vreg.gather [hbm4b:s4+s3], $0x80, v3, vm0, $0xb8;
	[tilespmem:$0x18180] =	vst v63  }
0xf4: {  	s10 =	simm.s32 $0x8980  }
0xf5: {  	[tilespmem:s10], [sflag:$0x1] =	stream.indirect_vreg.gather [hbm4b:s5+s3], $0x80, v3, vm0, $0xb8;
	[tilespmem:$0x18180] =	vst v63  }
0xf6: {  	v3 =	vld [tilespmem:$0xB0];
	_ =	sdelay $0x4  }
0xf7: {  	v55 =	vshrl.u32 v3, $0x3  }
0xf8: {  	v4 =	vmul.u32 $0x30, v55  }
0xf9: {  	v3 =	vand.u32 $0x7, v3  }
0xfa: {  	v3 =	vor.u32 v3, v4  }
0xfb: {  	v4 =	vperm.xlane v3, v0;
	_ =	sdelay $0x1  }
0xfc: {  	v4 =	vadd.s32 v1, v4;
	_ =	sdelay $0x3  }
0xfd: {  	s10 =	simm.s32 $0x9180;
	v3 =	vperm.xlane v3, v2  }
0xfe: {  	[tilespmem:s10], [sflag:$0x1] =	stream.indirect_vreg.gather [hbm4b:s2+s3], $0x80, v4, vm0, $0xb8;
	[tilespmem:$0x18180] =	vst v63  }
0xff: {  	v3 =	vadd.s32 v1, v3;
	s10 =	simm.s32 $0x9980  }
0x100: {  	[tilespmem:s10], [sflag:$0x1] =	stream.indirect_vreg.gather [hbm4b:s4+s3], $0x80, v4, vm0, $0xb8;
	[tilespmem:$0x18180] =	vst v63  }
0x101: {  	s10 =	simm.s32 $0xA180  }
0x102: {  	[tilespmem:s10], [sflag:$0x1] =	stream.indirect_vreg.gather [hbm4b:s5+s3], $0x80, v4, vm0, $0xb8;
	[tilespmem:$0x18180] =	vst v63  }
0x103: {  	s10 =	simm.s32 $0xA980  }
0x104: {  	[tilespmem:s10], [sflag:$0x1] =	stream.indirect_vreg.gather [hbm4b:s2+s3], $0x80, v3, vm0, $0xb8;
	[tilespmem:$0x18180] =	vst v63  }
0x105: {  	s10 =	simm.s32 $0xB180  }
0x106: {  	[tilespmem:s10], [sflag:$0x1] =	stream.indirect_vreg.gather [hbm4b:s4+s3], $0x80, v3, vm0, $0xb8;
	[tilespmem:$0x18180] =	vst v63  }
0x107: {  	s10 =	simm.s32 $0xB980  }
0x108: {  	[tilespmem:s10], [sflag:$0x1] =	stream.indirect_vreg.gather [hbm4b:s5+s3], $0x80, v3, vm0, $0xb8;
	[tilespmem:$0x18180] =	vst v63  }
0x109: {  	_ =	swait.ge [sflag:s0], $0xC000  }
0x10a: {  	[sflag:s0] =	ssyncset.done $0x0  }
0x10b: {  	[sflag:s0] =	ssyncadd.s32 $0xFFFF4000  }
0x10c: {  	_ =	swait.ge [sflag:s9], $0xC000  }
0x10d: {  	[sflag:s9] =	ssyncset.done $0x0  }
0x10e: {  	s10 =	rddreg [dreg:$0x7];
	[sflag:s9] =	ssyncadd.s32 $0xFFFF4000  }
0x10f: {  	[hbm4b:s10+s3] =	stream.linear.scatter [tilespmem:s7], [sflag:$0x2], $0xC000, $0x38;
	[tilespmem:$0x18180] =	vst v63  }
0x110: {  	v3 =	vld [tilespmem:$0xC0];
	_ =	sdelay $0x4  }
0x111: {  	v56 =	vshrl.u32 v3, $0x3  }
0x112: {  	v4 =	vmul.u32 $0x30, v56  }
0x113: {  	v3 =	vand.u32 $0x7, v3  }
0x114: {  	v3 =	vor.u32 v3, v4  }
0x115: {  	v4 =	vperm.xlane v3, v0;
	_ =	sdelay $0x1  }
0x116: {  	v4 =	vadd.s32 v1, v4;
	_ =	sdelay $0x3  }
0x117: {  	v3 =	vperm.xlane v3, v2  }
0x118: {  	[tilespmem:s1], [sflag:$0x1] =	stream.indirect_vreg.gather [hbm4b:s2+s3], $0x80, v4, vm0, $0xb8;
	[tilespmem:$0x18180] =	vst v63  }
0x119: {  	s10 =	simm.s32 $0xC980;
	v3 =	vadd.s32 v1, v3  }
0x11a: {  	[tilespmem:s10], [sflag:$0x1] =	stream.indirect_vreg.gather [hbm4b:s4+s3], $0x80, v4, vm0, $0xb8;
	[tilespmem:$0x18180] =	vst v63  }
0x11b: {  	_ = 	snop  }
0x11c: {  	[tilespmem:s8], [sflag:$0x1] =	stream.indirect_vreg.gather [hbm4b:s5+s3], $0x80, v4, vm0, $0xb8;
	[tilespmem:$0x18180] =	vst v63  }
0x11d: {  	_ = 	snop  }
0x11e: {  	[tilespmem:s11], [sflag:$0x1] =	stream.indirect_vreg.gather [hbm4b:s2+s3], $0x80, v3, vm0, $0xb8;
	[tilespmem:$0x18180] =	vst v63  }
0x11f: {  	_ = 	snop  }
0x120: {  	[tilespmem:s12], [sflag:$0x1] =	stream.indirect_vreg.gather [hbm4b:s4+s3], $0x80, v3, vm0, $0xb8;
	[tilespmem:$0x18180] =	vst v63  }
0x121: {  	_ = 	snop  }
0x122: {  	[tilespmem:s13], [sflag:$0x1] =	stream.indirect_vreg.gather [hbm4b:s5+s3], $0x80, v3, vm0, $0xb8;
	[tilespmem:$0x18180] =	vst v63  }
0x123: {  	v3 =	vld [tilespmem:$0xD0];
	_ =	sdelay $0x4  }
0x124: {  	v57 =	vshrl.u32 v3, $0x3  }
0x125: {  	v4 =	vmul.u32 $0x30, v57  }
0x126: {  	v3 =	vand.u32 $0x7, v3  }
0x127: {  	v3 =	vor.u32 v3, v4  }
0x128: {  	v4 =	vperm.xlane v3, v0;
	_ =	sdelay $0x1  }
0x129: {  	v4 =	vadd.s32 v1, v4;
	_ =	sdelay $0x3  }
0x12a: {  	v3 =	vperm.xlane v3, v2  }
0x12b: {  	[tilespmem:s14], [sflag:$0x1] =	stream.indirect_vreg.gather [hbm4b:s2+s3], $0x80, v4, vm0, $0xb8;
	[tilespmem:$0x18180] =	vst v63  }
0x12c: {  	v3 =	vadd.s32 v1, v3  }
0x12d: {  	[tilespmem:s15], [sflag:$0x1] =	stream.indirect_vreg.gather [hbm4b:s4+s3], $0x80, v4, vm0, $0xb8;
	[tilespmem:$0x18180] =	vst v63  }
0x12e: {  	_ = 	snop  }
0x12f: {  	[tilespmem:s16], [sflag:$0x1] =	stream.indirect_vreg.gather [hbm4b:s5+s3], $0x80, v4, vm0, $0xb8;
	[tilespmem:$0x18180] =	vst v63  }
0x130: {  	_ = 	snop  }
0x131: {  	[tilespmem:s17], [sflag:$0x1] =	stream.indirect_vreg.gather [hbm4b:s2+s3], $0x80, v3, vm0, $0xb8;
	[tilespmem:$0x18180] =	vst v63  }
0x132: {  	_ = 	snop  }
0x133: {  	[tilespmem:s18], [sflag:$0x1] =	stream.indirect_vreg.gather [hbm4b:s4+s3], $0x80, v3, vm0, $0xb8;
	[tilespmem:$0x18180] =	vst v63  }
0x134: {  	_ = 	snop  }
0x135: {  	[tilespmem:s19], [sflag:$0x1] =	stream.indirect_vreg.gather [hbm4b:s5+s3], $0x80, v3, vm0, $0xb8;
	[tilespmem:$0x18180] =	vst v63  }
0x136: {  	v3 =	vld [tilespmem:$0xE0];
	_ =	sdelay $0x4  }
0x137: {  	v58 =	vshrl.u32 v3, $0x3  }
0x138: {  	v4 =	vmul.u32 $0x30, v58  }
0x139: {  	v3 =	vand.u32 $0x7, v3  }
0x13a: {  	v3 =	vor.u32 v3, v4  }
0x13b: {  	v4 =	vperm.xlane v3, v0;
	_ =	sdelay $0x1  }
0x13c: {  	v4 =	vadd.s32 v1, v4;
	_ =	sdelay $0x3  }
0x13d: {  	v3 =	vperm.xlane v3, v2  }
0x13e: {  	[tilespmem:s20], [sflag:$0x1] =	stream.indirect_vreg.gather [hbm4b:s2+s3], $0x80, v4, vm0, $0xb8;
	[tilespmem:$0x18180] =	vst v63  }
0x13f: {  	v3 =	vadd.s32 v1, v3  }
0x140: {  	[tilespmem:s21], [sflag:$0x1] =	stream.indirect_vreg.gather [hbm4b:s4+s3], $0x80, v4, vm0, $0xb8;
	[tilespmem:$0x18180] =	vst v63  }
0x141: {  	_ = 	snop  }
0x142: {  	[tilespmem:s22], [sflag:$0x1] =	stream.indirect_vreg.gather [hbm4b:s5+s3], $0x80, v4, vm0, $0xb8;
	[tilespmem:$0x18180] =	vst v63  }
0x143: {  	_ = 	snop  }
0x144: {  	[tilespmem:s23], [sflag:$0x1] =	stream.indirect_vreg.gather [hbm4b:s2+s3], $0x80, v3, vm0, $0xb8;
	[tilespmem:$0x18180] =	vst v63  }
0x145: {  	_ = 	snop  }
0x146: {  	[tilespmem:s24], [sflag:$0x1] =	stream.indirect_vreg.gather [hbm4b:s4+s3], $0x80, v3, vm0, $0xb8;
	[tilespmem:$0x18180] =	vst v63  }
0x147: {  	_ = 	snop  }
0x148: {  	[tilespmem:s25], [sflag:$0x1] =	stream.indirect_vreg.gather [hbm4b:s5+s3], $0x80, v3, vm0, $0xb8;
	[tilespmem:$0x18180] =	vst v63  }
0x149: {  	v3 =	vld [tilespmem:$0xF0];
	_ =	sdelay $0x4  }
0x14a: {  	v59 =	vshrl.u32 v3, $0x3  }
0x14b: {  	v4 =	vmul.u32 $0x30, v59  }
0x14c: {  	v3 =	vand.u32 $0x7, v3  }
0x14d: {  	v3 =	vor.u32 v3, v4  }
0x14e: {  	v4 =	vperm.xlane v3, v0;
	_ =	sdelay $0x1  }
0x14f: {  	v4 =	vadd.s32 v1, v4;
	_ =	sdelay $0x3  }
0x150: {  	v3 =	vperm.xlane v3, v2  }
0x151: {  	[tilespmem:s26], [sflag:$0x1] =	stream.indirect_vreg.gather [hbm4b:s2+s3], $0x80, v4, vm0, $0xb8;
	[tilespmem:$0x18180] =	vst v63  }
0x152: {  	v3 =	vadd.s32 v1, v3  }
0x153: {  	[tilespmem:s28], [sflag:$0x1] =	stream.indirect_vreg.gather [hbm4b:s4+s3], $0x80, v4, vm0, $0xb8;
	[tilespmem:$0x18180] =	vst v63  }
0x154: {  	_ = 	snop  }
0x155: {  	[tilespmem:s29], [sflag:$0x1] =	stream.indirect_vreg.gather [hbm4b:s5+s3], $0x80, v4, vm0, $0xb8;
	[tilespmem:$0x18180] =	vst v63  }
0x156: {  	_ = 	snop  }
0x157: {  	[tilespmem:s30], [sflag:$0x1] =	stream.indirect_vreg.gather [hbm4b:s2+s3], $0x80, v3, vm0, $0xb8;
	[tilespmem:$0x18180] =	vst v63  }
0x158: {  	_ = 	snop  }
0x159: {  	[tilespmem:s31], [sflag:$0x1] =	stream.indirect_vreg.gather [hbm4b:s4+s3], $0x80, v3, vm0, $0xb8;
	[tilespmem:$0x18180] =	vst v63  }
0x15a: {  	s10 =	simm.s32 $0x17980  }
0x15b: {  	[tilespmem:s10], [sflag:$0x1] =	stream.indirect_vreg.gather [hbm4b:s5+s3], $0x80, v3, vm0, $0xb8;
	[tilespmem:$0x18180] =	vst v63  }
0x15c: {  	_ =	swait.ge [sflag:s0], $0xC000  }
0x15d: {  	[sflag:s0] =	ssyncset.done $0x0  }
0x15e: {  	[sflag:s0] =	ssyncadd.s32 $0xFFFF4000  }
0x15f: {  	_ =	swait.ge [sflag:s9], $0xC000  }
0x160: {  	[sflag:s9] =	ssyncset.done $0x0  }
0x161: {  	s8 =	rddreg [dreg:$0x8];
	[sflag:s9] =	ssyncadd.s32 $0xFFFF4000  }
0x162: {  	[hbm4b:s8+s3] =	stream.linear.scatter [tilespmem:s1], [sflag:$0x2], $0xC000, $0x38;
	[tilespmem:$0x18180] =	vst v63  }
0x163: {  	v3 =	vld [tilespmem:$0x100];
	_ =	sdelay $0x4  }
0x164: {  	v60 =	vshrl.u32 v3, $0x3  }
0x165: {  	v4 =	vmul.u32 $0x30, v60  }
0x166: {  	v3 =	vand.u32 $0x7, v3  }
0x167: {  	v3 =	vor.u32 v3, v4  }
0x168: {  	v4 =	vperm.xlane v3, v0;
	_ =	sdelay $0x1  }
0x169: {  	v4 =	vadd.s32 v1, v4;
	_ =	sdelay $0x3  }
0x16a: {  	v3 =	vperm.xlane v3, v2  }
0x16b: {  	[tilespmem:s7], [sflag:$0x1] =	stream.indirect_vreg.gather [hbm4b:s2+s3], $0x80, v4, vm0, $0xb8;
	[tilespmem:$0x18180] =	vst v63  }
0x16c: {  	s10 =	simm.s32 $0x980;
	v3 =	vadd.s32 v1, v3  }
0x16d: {  	[tilespmem:s10], [sflag:$0x1] =	stream.indirect_vreg.gather [hbm4b:s4+s3], $0x80, v4, vm0, $0xb8;
	[tilespmem:$0x18180] =	vst v63  }
0x16e: {  	s8 =	simm.s32 $0x1180  }
0x16f: {  	[tilespmem:s8], [sflag:$0x1] =	stream.indirect_vreg.gather [hbm4b:s5+s3], $0x80, v4, vm0, $0xb8;
	[tilespmem:$0x18180] =	vst v63  }
0x170: {  	s10 =	simm.s32 $0x1980  }
0x171: {  	[tilespmem:s10], [sflag:$0x1] =	stream.indirect_vreg.gather [hbm4b:s2+s3], $0x80, v3, vm0, $0xb8;
	[tilespmem:$0x18180] =	vst v63  }
0x172: {  	s8 =	simm.s32 $0x2180  }
0x173: {  	[tilespmem:s8], [sflag:$0x1] =	stream.indirect_vreg.gather [hbm4b:s4+s3], $0x80, v3, vm0, $0xb8;
	[tilespmem:$0x18180] =	vst v63  }
0x174: {  	s10 =	simm.s32 $0x2980  }
0x175: {  	[tilespmem:s10], [sflag:$0x1] =	stream.indirect_vreg.gather [hbm4b:s5+s3], $0x80, v3, vm0, $0xb8;
	[tilespmem:$0x18180] =	vst v63  }
0x176: {  	v3 =	vld [tilespmem:$0x110];
	_ =	sdelay $0x4  }
0x177: {  	v61 =	vshrl.u32 v3, $0x3  }
0x178: {  	v4 =	vmul.u32 $0x30, v61  }
0x179: {  	v3 =	vand.u32 $0x7, v3  }
0x17a: {  	v3 =	vor.u32 v3, v4  }
0x17b: {  	v4 =	vperm.xlane v3, v0;
	_ =	sdelay $0x1  }
0x17c: {  	v4 =	vadd.s32 v1, v4;
	_ =	sdelay $0x3  }
0x17d: {  	s8 =	simm.s32 $0x3180;
	v3 =	vperm.xlane v3, v2  }
0x17e: {  	[tilespmem:s8], [sflag:$0x1] =	stream.indirect_vreg.gather [hbm4b:s2+s3], $0x80, v4, vm0, $0xb8;
	[tilespmem:$0x18180] =	vst v63  }
0x17f: {  	s10 =	simm.s32 $0x3980;
	v3 =	vadd.s32 v1, v3  }
0x180: {  	[tilespmem:s10], [sflag:$0x1] =	stream.indirect_vreg.gather [hbm4b:s4+s3], $0x80, v4, vm0, $0xb8;
	[tilespmem:$0x18180] =	vst v63  }
0x181: {  	s8 =	simm.s32 $0x4180  }
0x182: {  	[tilespmem:s8], [sflag:$0x1] =	stream.indirect_vreg.gather [hbm4b:s5+s3], $0x80, v4, vm0, $0xb8;
	[tilespmem:$0x18180] =	vst v63  }
0x183: {  	s10 =	simm.s32 $0x4980  }
0x184: {  	[tilespmem:s10], [sflag:$0x1] =	stream.indirect_vreg.gather [hbm4b:s2+s3], $0x80, v3, vm0, $0xb8;
	[tilespmem:$0x18180] =	vst v63  }
0x185: {  	s8 =	simm.s32 $0x5180  }
0x186: {  	[tilespmem:s8], [sflag:$0x1] =	stream.indirect_vreg.gather [hbm4b:s4+s3], $0x80, v3, vm0, $0xb8;
	[tilespmem:$0x18180] =	vst v63  }
0x187: {  	s10 =	simm.s32 $0x5980  }
0x188: {  	[tilespmem:s10], [sflag:$0x1] =	stream.indirect_vreg.gather [hbm4b:s5+s3], $0x80, v3, vm0, $0xb8;
	[tilespmem:$0x18180] =	vst v63  }
0x189: {  	v3 =	vld [tilespmem:$0x120];
	_ =	sdelay $0x4  }
0x18a: {  	v62 =	vshrl.u32 v3, $0x3  }
0x18b: {  	v4 =	vmul.u32 $0x30, v62  }
0x18c: {  	v3 =	vand.u32 $0x7, v3  }
0x18d: {  	v3 =	vor.u32 v3, v4  }
0x18e: {  	v4 =	vperm.xlane v3, v0;
	_ =	sdelay $0x1  }
0x18f: {  	v4 =	vadd.s32 v1, v4;
	_ =	sdelay $0x3  }
0x190: {  	s8 =	simm.s32 $0x6180;
	v3 =	vperm.xlane v3, v2  }
0x191: {  	[tilespmem:s8], [sflag:$0x1] =	stream.indirect_vreg.gather [hbm4b:s2+s3], $0x80, v4, vm0, $0xb8;
	[tilespmem:$0x18180] =	vst v63  }
0x192: {  	s10 =	simm.s32 $0x6980;
	v3 =	vadd.s32 v1, v3  }
0x193: {  	[tilespmem:s10], [sflag:$0x1] =	stream.indirect_vreg.gather [hbm4b:s4+s3], $0x80, v4, vm0, $0xb8;
	[tilespmem:$0x18180] =	vst v63  }
0x194: {  	s8 =	simm.s32 $0x7180  }
0x195: {  	[tilespmem:s8], [sflag:$0x1] =	stream.indirect_vreg.gather [hbm4b:s5+s3], $0x80, v4, vm0, $0xb8;
	[tilespmem:$0x18180] =	vst v63  }
0x196: {  	s10 =	simm.s32 $0x7980  }
0x197: {  	[tilespmem:s10], [sflag:$0x1] =	stream.indirect_vreg.gather [hbm4b:s2+s3], $0x80, v3, vm0, $0xb8;
	[tilespmem:$0x18180] =	vst v63  }
0x198: {  	s8 =	simm.s32 $0x8180  }
0x199: {  	[tilespmem:s8], [sflag:$0x1] =	stream.indirect_vreg.gather [hbm4b:s4+s3], $0x80, v3, vm0, $0xb8;
	[tilespmem:$0x18180] =	vst v63  }
0x19a: {  	s10 =	simm.s32 $0x8980  }
0x19b: {  	[tilespmem:s10], [sflag:$0x1] =	stream.indirect_vreg.gather [hbm4b:s5+s3], $0x80, v3, vm0, $0xb8;
	[tilespmem:$0x18180] =	vst v63  }
0x19c: {  	v3 =	vld [tilespmem:$0x130];
	_ =	sdelay $0x4  }
0x19d: {  	v63 =	vshrl.u32 v3, $0x3  }
0x19e: {  	v4 =	vmul.u32 $0x30, v63  }
0x19f: {  	v3 =	vand.u32 $0x7, v3  }
0x1a0: {  	v3 =	vor.u32 v3, v4  }
0x1a1: {  	v4 =	vperm.xlane v3, v0;
	_ =	sdelay $0x1  }
0x1a2: {  	v4 =	vadd.s32 v1, v4;
	_ =	sdelay $0x3  }
0x1a3: {  	s8 =	simm.s32 $0x9180;
	v3 =	vperm.xlane v3, v2  }
0x1a4: {  	[tilespmem:s8], [sflag:$0x1] =	stream.indirect_vreg.gather [hbm4b:s2+s3], $0x80, v4, vm0, $0xb8;
	[tilespmem:$0x18180] =	vst v63  }
0x1a5: {  	s10 =	simm.s32 $0x9980;
	v3 =	vadd.s32 v1, v3  }
0x1a6: {  	[tilespmem:s10], [sflag:$0x1] =	stream.indirect_vreg.gather [hbm4b:s4+s3], $0x80, v4, vm0, $0xb8;
	[tilespmem:$0x18180] =	vst v63  }
0x1a7: {  	s8 =	simm.s32 $0xA180  }
0x1a8: {  	[tilespmem:s8], [sflag:$0x1] =	stream.indirect_vreg.gather [hbm4b:s5+s3], $0x80, v4, vm0, $0xb8;
	[tilespmem:$0x18180] =	vst v63  }
0x1a9: {  	s10 =	simm.s32 $0xA980  }
0x1aa: {  	[tilespmem:s10], [sflag:$0x1] =	stream.indirect_vreg.gather [hbm4b:s2+s3], $0x80, v3, vm0, $0xb8;
	[tilespmem:$0x18180] =	vst v63  }
0x1ab: {  	s8 =	simm.s32 $0xB180  }
0x1ac: {  	[tilespmem:s8], [sflag:$0x1] =	stream.indirect_vreg.gather [hbm4b:s4+s3], $0x80, v3, vm0, $0xb8;
	[tilespmem:$0x18180] =	vst v63  }
0x1ad: {  	s10 =	simm.s32 $0xB980  }
0x1ae: {  	[tilespmem:s10], [sflag:$0x1] =	stream.indirect_vreg.gather [hbm4b:s5+s3], $0x80, v3, vm0, $0xb8;
	[tilespmem:$0x18180] =	vst v63  }
0x1af: {  	_ =	swait.ge [sflag:s0], $0xC000  }
0x1b0: {  	[sflag:s0] =	ssyncset.done $0x0  }
0x1b1: {  	[sflag:s0] =	ssyncadd.s32 $0xFFFF4000  }
0x1b2: {  	_ =	swait.ge [sflag:s9], $0xC000  }
0x1b3: {  	p0 =	sne.s32 s6, $0x1;
	[sflag:s9] =	ssyncset.done $0x0  }
.Ltmp0:
0x1b4: {  	s8 =	rddreg [dreg:$0x9];
	[sflag:s9] =	ssyncadd.s32 $0xFFFF4000;
	(pc) =	sbr.rel @p0 .LBB2_1-.Ltmp0, $4  }
0x1b5: {  	[hbm4b:s8+s3] =	stream.linear.scatter [tilespmem:s7], [sflag:$0x2], $0xC000, $0x38;
	[tilespmem:$0x18180] =	vst v63  }
0x1b6: {  	_ =	swait.ge [sflag:s9], $0xC000  }
0x1b7: {  	[sflag:s9] =	ssyncset.done $0x0  }
0x1b8: {  	s6 =	sadd.s32 $0xFFFFFFFF, s6;
	[sflag:s9] =	ssyncadd.s32 $0xFFFF4000  }
0x1b9: {  	_ =	sfence.sel $0x180000  }
0x1ba: {  	[bflag:$0x0] =	sbarrier.arrive $0xFFFF  }
0x1bb: {  	_ =	strace $0x9000004A  }
0x1bc: {  	s0 =	stileid.u32;
	[bflag:$0x2] =	sbarrier.arrive $0xFFFF  }
0x1bd: {  	p0 =	sne.s32 s0, $0x0;
	s0 =	rddreg [dreg:$0x3]  }
0x1be: {  	s0 =	sadd.s32 @!p0 $0x100000, s0  }
0x1bf: {  	[sflag:s0] =	ssyncadd.tile.s32 @!p0 $0x1;
	_ =	shalt  }
.Lfunc_end2:
_tile_overlayer_lowered:
.L_overlay_start_2:
0x1c0: {  	(tag) =	ssettag $0x2  }
0x1c1: {  	s0 =	rddreg [dreg:$0x0];
	s2 =	stileid.u32  }
0x1c2: {  	s1 =	rddreg [dreg:$0x1];
	p0 =	sne.s32 s2, $0x0  }
0x1c3: {  	s3 =	rddreg [dreg:$0x2];
	[bflag:$0x3] =	sbarrier.arrive $0xFFFF;
	s2 =	simm.s32 @!p0 $0x1C03  }
0x1c4: {  	[timem:s3], [sflag:s2] =	dma.local @!p0 [hbm:s0], s1  }
0x1c5: {  	s0 =	simm.s32 @!p0 $0x3  }
0x1c6: {  	_ =	swait.ge @!p0 [sflag:s0], s1  }
0x1c7: {  	s1 =	ssub.s32 @!p0 $0x0, s1;
	[sflag:s0] =	ssyncset.done @!p0 $0x0  }
0x1c8: {  	[sflag:s0] =	ssyncadd.s32 @!p0 s1  }
0x1c9: {  	[bflag:$0x3] =	sbarrier.arrive $0xFFFF  }
0x1ca: {  	_ =	shalt  }

// kernel: kernel.9.cloned.1.call-start
scs
__scs_entry_jumppad:
0x0: {  	(pc) =	sbr.rel $0x88, $3  }
0x1: {  	(tag) =	ssettag $0x0;
	lr =	simm.s32 $0x1  }
0x2: {  	[smem:$0x3F9C] =	sst lr;
	_ =	strace $0xD0000000  }
0x3: {  	_ = 	snop  }
0x4: {  	_ = 	snop  }
0x5: {  	_ = 	snop  }
0x6: {  	_ = 	snop  }
0x7: {  	_ = 	snop  }
__scs_overlays_trampoline_lowered:
0x8: {  	[smem:$0x3FAB] =	sst s0  }
0x9: {  	[smem:$0x3FAC] =	sst s1  }
0xa: {  	[smem:$0x3FAD] =	sst s2  }
0xb: {  	[smem:$0x3FAE] =	sst s3  }
0xc: {  	[smem:$0x3FAF] =	sst s4  }
0xd: {  	[smem:$0x3FB0] =	sst s5  }
0xe: {  	[smem:$0x3FB1] =	sst s6  }
0xf: {  	[smem:$0x3FB2] =	sst s7  }
0x10: {  	[smem:$0x3FB3] =	sst s8  }
0x11: {  	[smem:$0x3FB4] =	sst s9;
	s0 =	simm.s32 @!p0 $0x0  }
0x12: {  	s1 =	sld [smem:$0x3F9A];
	s0 =	simm.s32 @p0 $0x1  }
0x13: {  	[smem:$0x3FB5] =	sst s0;
	s0 =	simm.s32 @!p1 $0x0  }
0x14: {  	s2 =	sld [smem:$0x3F99];
	s0 =	simm.s32 @p1 $0x1  }
0x15: {  	[smem:$0x3FB6] =	sst s0;
	s0 =	simm.s32 @!p2 $0x0  }
0x16: {  	s3 =	sld [smem:$0x3FDB];
	s0 =	simm.s32 @p2 $0x1  }
0x17: {  	s4 =	simm.s32 $0x1BF5;
	[smem:$0x3FB8] =	sst s0  }
0x18: {  	s0 =	sld [smem:$0x3F9B];
	_ =	swait.ge [sflag:s4], $0x0  }
0x19: {  	s7 =	sld [smem:$0x3F9C]  }
0x1a: {  	s8 =	sadd.s32 $0xFFFFE003, lr  }
0x1b: {  	s9 =	sadd.s32 $0xFFFFFEF7, lr;
	s5 =	simm.s32 $0xFFFFFFFF;
	p2 =	slt.u32 s8, $0xFFFFF086  }
0x1c: {  	p1 =	slt.u32 s9, $0xF7A;
	s5 =	simm.s32 @!p2 $0x0  }
0x1d: {  	s5 =	simm.s32 @p1 $0x1;
	p0 =	seq.s32 s7, s2  }
0x1e: {  	s7 =	smul.u32 @!p0 $0xF7A, s2;
	p2 =	seq.s32 @!p0 s5, $0x0  }
0x1f: {  	s9 =	smul.u32 $0xF7A, s1;
	s8 =	simm.s32 @!p0 $0x1BF5;
	p2 =	por !p2, p0  }
0x20: {  	[sflag:s8] =	ssyncset.s32 @!p0 $0xFFFFF086;
	s6 =	sadd.s32 @!p0 s3, s7;
	s7 =	simm.s32 @!p0 $0x108  }
0x21: {  	s3 =	sadd.s32 s3, s9;
	s6 =	sadd.s32 @!p0 $0x88, s6;
	s7 =	simm.s32 @p2 $0x1082  }
0x22: {  	[simem:s7], [sflag:s8] =	dma.local @!p0 [hbm:s6], $0xF7A  }
0x23: {  	s9 =	sor.u32 $0xD0000000, s2;
	s6 =	simm.s32 $0x108;
	_ =	swait.ge @!p0 [sflag:s8], $0x0  }
0x24: {  	s3 =	sadd.s32 $0x88, s3;
	s6 =	simm.s32 @!p1 $0x1082;
	[sflag:s4] =	ssyncset.s32 $0xFFFFF086  }
0x25: {  	[simem:s6], [sflag:s4] =	dma.local [hbm:s3], $0xF7A  }
0x26: {  	[smem:$0x3F9C] =	sst s1;
	(tag) =	ssettag s2;
	_ =	strace s9  }
0x27: {  	s1 =	sld [smem:$0x3FAC]  }
0x28: {  	s2 =	sld [smem:$0x3FAD]  }
0x29: {  	s4 =	sld [smem:$0x3FAF]  }
0x2a: {  	p0 =	seq.s32 s5, $0x0;
	s5 =	sld [smem:$0x3FB0]  }
0x2b: {  	s6 =	sld [smem:$0x3FB1]  }
0x2c: {  	s7 =	sld [smem:$0x3FB2]  }
0x2d: {  	s3 =	simm.s32 $0x108;
	s8 =	sld [smem:$0x3FB3]  }
0x2e: {  	s3 =	simm.s32 @!p0 $0x1082;
	s9 =	sld [smem:$0x3FB4]  }
0x2f: {  	lr =	sadd.s32 s0, s3;
	s0 =	sld [smem:$0x3FAB]  }
0x30: {  	s3 =	sld [smem:$0x3FAE]  }
0x31: {  	[smem:$0x3FB7] =	sst s10  }
0x32: {  	s10 =	sld [smem:$0x3FB5];
	_ =	sdelay $0x3  }
0x33: {  	p0 =	seq.s32 s10, $0x1;
	s10 =	sld [smem:$0x3FB7];
	_ =	sdelay $0x3  }
0x34: {  	[smem:$0x3FB7] =	sst s10  }
0x35: {  	s10 =	sld [smem:$0x3FB6];
	_ =	sdelay $0x3  }
0x36: {  	p1 =	seq.s32 s10, $0x1;
	s10 =	sld [smem:$0x3FB7];
	_ =	sdelay $0x3  }
0x37: {  	[smem:$0x3FB7] =	sst s10  }
0x38: {  	s10 =	sld [smem:$0x3FB8]  }
0x39: {  	_ = 	snop;
	(pc) =	sbr.ind lr, $3  }
0x3a: {  	_ = 	snop  }
0x3b: {  	_ = 	snop  }
0x3c: {  	p2 =	seq.s32 s10, $0x1;
	s10 =	sld [smem:$0x3FB7]  }
0x3d: {  	_ =	shalt  }
0x3e: {  	_ =	shalt  }
0x3f: {  	_ =	shalt  }
0x40: {  	_ =	shalt  }
0x41: {  	_ =	shalt  }
0x42: {  	_ =	shalt  }
0x43: {  	_ =	shalt  }
0x44: {  	_ =	shalt  }
0x45: {  	_ =	shalt  }
0x46: {  	_ =	shalt  }
0x47: {  	_ =	shalt  }
0x48: {  	_ =	shalt  }
0x49: {  	_ =	shalt  }
0x4a: {  	_ =	shalt  }
0x4b: {  	_ =	shalt  }
0x4c: {  	_ =	shalt  }
0x4d: {  	_ =	shalt  }
0x4e: {  	_ =	shalt  }
0x4f: {  	_ =	shalt  }
0x50: {  	_ =	shalt  }
0x51: {  	_ =	shalt  }
0x52: {  	_ =	shalt  }
0x53: {  	_ =	shalt  }
0x54: {  	_ =	shalt  }
0x55: {  	_ =	shalt  }
0x56: {  	_ =	shalt  }
0x57: {  	_ =	shalt  }
0x58: {  	_ =	shalt  }
0x59: {  	_ =	shalt  }
0x5a: {  	_ =	shalt  }
0x5b: {  	_ =	shalt  }
0x5c: {  	_ =	shalt  }
0x5d: {  	_ =	shalt  }
0x5e: {  	_ =	shalt  }
0x5f: {  	_ =	shalt  }
0x60: {  	_ =	shalt  }
0x61: {  	_ =	shalt  }
0x62: {  	_ =	shalt  }
0x63: {  	_ =	shalt  }
0x64: {  	_ =	shalt  }
0x65: {  	_ =	shalt  }
0x66: {  	_ =	shalt  }
0x67: {  	_ =	shalt  }
0x68: {  	_ =	shalt  }
0x69: {  	_ =	shalt  }
0x6a: {  	_ =	shalt  }
0x6b: {  	_ =	shalt  }
0x6c: {  	_ =	shalt  }
0x6d: {  	_ =	shalt  }
0x6e: {  	_ =	shalt  }
0x6f: {  	_ =	shalt  }
0x70: {  	_ =	shalt  }
0x71: {  	_ =	shalt  }
0x72: {  	_ =	shalt  }
0x73: {  	_ =	shalt  }
0x74: {  	_ =	shalt  }
0x75: {  	_ =	shalt  }
0x76: {  	_ =	shalt  }
0x77: {  	_ =	shalt  }
0x78: {  	_ =	shalt  }
0x79: {  	_ =	shalt  }
0x7a: {  	_ =	shalt  }
0x7b: {  	_ =	shalt  }
0x7c: {  	_ =	shalt  }
0x7d: {  	_ =	shalt  }
0x7e: {  	_ =	shalt  }
0x7f: {  	_ =	shalt  }
0x80: {  	_ =	shalt  }
0x81: {  	_ =	shalt  }
0x82: {  	_ =	shalt  }
0x83: {  	_ =	shalt  }
0x84: {  	_ =	shalt  }
0x85: {  	_ =	shalt  }
0x86: {  	_ =	shalt  }
0x87: {  	_ =	shalt  }
.Lfunc_end0:
.L_simem_size_0:
called_computation.2_lowered:
.L_overlay_start_0:
0x88: {  	s2 =	sld [smem:$0x3FD9]  }
0x89: {  	s3 =	sld [smem:$0x3FFE];
	_ =	sdelay $0x1  }
0x8a: {  	s1 =	srdreg.scid  }
0x8b: {  	s0 =	sand.u32 $0x1, s1  }
0x8c: {  	s14 =	sshll.u32 s0, $0xA;
	s2 =	sadd.s32 s3, s2  }
0x8d: {  	s2 =	sadd.s32 s2, s14  }
0x8e: {  	[smem:$0x3FC3] =	sst s2  }
0x8f: {  	_ = 	snop  }
0x90: {  	s2 =	sld [smem:$0x3FD0];
	_ =	sdelay $0x2  }
0x91: {  	s15 =	simm.s32 $0xA;
	s4 =	simm.s32 $0x10  }
0x92: {  	[smem:s4], [sflag:s15] =	dma.local [hbm:s2], $0x1  }
0x93: {  	_ =	swait.eq [sflag:s15], $0x1  }
0x94: {  	[sflag:s15] =	ssyncset.done $0x0  }
0x95: {  	[sflag:s15] =	ssyncadd.s32 $0xFFFFFFFF  }
0x96: {  	s16 =	sld [smem:$0x10];
	(tm) =	ssettm $0x1  }
0x97: {  	s17 =	sld [smem:$0x3FFB];
	_ =	sdelay $0x3  }
0x98: {  	_ =	strace s17  }
0x99: {  	s3 =	sld [smem:$0x3FFC];
	_ =	sdelay $0x3  }
0x9a: {  	_ =	strace s3  }
0x9b: {  	s3 =	sld [smem:$0x3FFD];
	_ =	sdelay $0x3  }
0x9c: {  	_ =	strace s3  }
0x9d: {  	_ =	strace $0x8FFFFFFF  }
0x9e: {  	s18 =	sld [smem:$0x3FDB];
	_ =	sdelay $0x1  }
0x9f: {  	s19 =	simm.s32 $_scs_section_size  }
0xa0: {  	s5 =	simm.s32 $_size__tile_overlayer_lowered;
	s6 =	simm.s32 $_tile_overlayer_lowered  }
0xa1: {  	s22 =	simm.s32 $0x1BFF;
	s21 =	sshll.u32 s6, $0x1;
	s3 =	sadd.s32 s19, s18  }
0xa2: {  	s7 =	simm.s32 $0x0;
	s20 =	sshll.u32 s5, $0x1;
	s5 =	sadd.s32 s21, s3  }
0xa3: {  	[timem:s7], [sflag:s22] =	dma.local [hbm:s5], s20  }
0xa4: {  	_ =	swait.ge [sflag:s22], s20  }
0xa5: {  	s4 =	ssub.s32 $0x0, s20;
	[sflag:s22] =	ssyncset.done $0x0  }
0xa6: {  	[sflag:s22] =	ssyncadd.s32 s4;
	_ =	sdelay $0x1  }
0xa7: {  	s23 =	simm.s32 $0x1B8B  }
0xa8: {  	_ =	swait.ge [sflag:s23], $0x1  }
0xa9: {  	[sflag:s23] =	ssyncset.done $0x0  }
0xaa: {  	s25 =	simm.s32 $0x1B8E;
	s24 =	sld [smem:$0x3FFE];
	[sflag:s23] =	ssyncadd.s32 $0xFFFFFFFF  }
0xab: {  	s26 =	simm.s32 $execute0_lowered;
	[smem:$0x3FD2] =	sst s25  }
0xac: {  	s5 =	sshll.u32 s26, $0x1;
	_ =	strace $0x8000004C;
	[dreg:$0x1] =	wrdreg $0xFFFFFFFF  }
0xad: {  	s28 =	simm.s32 $_size_execute0_lowered;
	s3 =	sadd.s32 s3, s5;
	[dreg:$0x0] =	wrdreg $0x0  }
0xae: {  	s5 =	sshll.u32 s28, $0x1;
	[dreg:$0x2] =	wrdreg s3  }
0xaf: {  	[dreg:$0x3] =	wrdreg s5  }
0xb0: {  	[dreg:$0x4] =	wrdreg $0xC0  }
0xb1: {  	_ =	task [dreg:s7], $0x5FFFF  }
0xb2: {  	[dreg:$0x1] =	wrdreg $0xFFFFFFFF  }
0xb3: {  	[dreg:$0x0] =	wrdreg $0x60  }
0xb4: {  	[dreg:$0x2] =	wrdreg s24  }
0xb5: {  	[dreg:$0x3] =	wrdreg s16  }
0xb6: {  	[dreg:$0x4] =	wrdreg $0x9  }
0xb7: {  	_ =	task.clear_ibuf [dreg:s7], $0x5FFFF;
	_ =	strace $0x9000004C  }
0xb8: {  	s29 =	simm.s32 $0x9;
	_ =	strace $0x8000004E  }
0xb9: {  	_ =	swait.ge [sflag:s29], $0x1  }
0xba: {  	[sflag:s29] =	ssyncadd.s32 $0xFFFFFFFF  }
0xbb: {  	_ =	strace $0x9000004E  }
0xbc: {  	_ =	sfence  }
0xbd: {  	s30 =	sld [smem:$0x0];
	_ =	sdelay $0x2  }
0xbe: {  	s31 =	sshll.u32 s1, $0xD;
	s1 =	sshrl.u32 s1, $0x2  }
0xbf: {  	s3 =	sand.u32 $0x4000, s31;
	s1 =	sadd.s32 s1, s30  }
0xc0: {  	s0 =	sor.u32 s3, s0;
	s1 =	sshll.u32 s1, $0x11  }
0xc1: {  	s0 =	sor.u32 s1, s0  }
0xc2: {  	s0 =	sadd.s32 $0x8F2B, s0  }
0xc3: {  	[sflag:s0] =	ssyncadd.remote.s32 $0x1  }
0xc4: {  	_ =	sfence.sel $0xFFFF  }
0xc5: {  	[dreg:$0x0] =	wrdreg $0xFFFFFFFF;
	(pc) =	sbr.abs _section_cstart, $3  }
0xc6: {  	[dreg:$0x1] =	wrdreg $0xFFFFFFFF  }
0xc7: {  	_ =	task.clear_ibuf [dreg:s7], $0x2FFFF;
	_ =	strace $0x9FFFFFFF  }
0xc8: {  	(tm) =	ssettm $0x7FFFFFFF  }
0xc9: {  	_ =	shalt  }
tec
execute0_lowered:
.L_overlay_start_1:
0x0: {  	(tag) =	ssettag $0x1  }
0x1: {  	s0 =	rddreg [dreg:$0x0]  }
0x2: {  	s1 =	rddreg [dreg:$0x1];
	s2 =	srdreg.scid  }
0x3: {  	s3 =	stileid.u32;
	s26 =	simm.s32 $0x80;
	s13 =	simm.s32 $0x1900  }
0x4: {  	s14 =	simm.s32 $0x2100;
	s15 =	simm.s32 $0x2900;
	s16 =	simm.s32 $0x3100  }
0x5: {  	s17 =	simm.s32 $0x3900;
	s18 =	simm.s32 $0x4100;
	s19 =	simm.s32 $0x4900  }
0x6: {  	s20 =	simm.s32 $0x5100;
	s21 =	simm.s32 $0x5900;
	s22 =	simm.s32 $0x6100  }
0x7: {  	s28 =	simm.s32 $0x8900;
	s29 =	simm.s32 $0x9100;
	s30 =	simm.s32 $0x9900  }
0x8: {  	s31 =	simm.s32 $0xA100;
	s4 =	sand.u32 $0x1, s2;
	s2 =	simm.s32 $0x0  }
0x9: {  	s3 =	sshll.u32 s3, $0x5;
	s7 =	sadd.s32 $0x1200, s0;
	s5 =	sshll.u32 s4, $0x4  }
0xa: {  	[smem:$0x7FF] =	sst s2;
	s4 =	ssub.s32 $0x2, s4;
	s5 =	sor.u32 s5, s3  }
0xb: {  	_ =	strace $0x8000004D;
	s3 =	sadd.s32 $0xF1600, s0;
	s9 =	sshrl.u32 s4, $0x1  }
0xc: {  	[dreg:$0x9] =	wrdreg s26;
	s6 =	sadd.s32 s5, s0;
	s8 =	smul.u32 $0x1800, s5  }
0xd: {  	s26 =	simm.s32 $0x8100;
	s5 =	smul.u32 $0x300, s5;
	s10 =	sadd.s32 $0xF1200, s6  }
0xe: {  	s9 =	ssub.s32 s4, s9;
	s6 =	sadd.s32 $0xF1400, s6;
	[dreg:$0x3] =	wrdreg s10  }
0xf: {  	s4 =	sadd.s32 $0xF1700, s0;
	s8 =	sshrl.u32 s8, $0x3;
	[dreg:$0x4] =	wrdreg s6  }
0x10: {  	s23 =	sadd.s32 s1, s5;
	s24 =	sadd.s32 s7, s5;
	s5 =	sadd.s32 $0xF1800, s0  }
0x11: {  	s6 =	smax.u32 s9, $0x1;
	s9 =	simm.s32 $0x1;
	[dreg:$0x5] =	wrdreg s23  }
0x12: {  	s8 =	sadd.s32 $0x1800, s8;
	[dreg:$0x7] =	wrdreg s24;
	s23 =	simm.s32 $0x6900  }
0x13: {  	v2 =	vlaneseq.u32;
	s24 =	simm.s32 $0x7100;
	s1 =	sadd.s32 s1, s8;
	s25 =	sadd.s32 s7, s8  }
0x14: {  	vm0 =	vmmov $0xffff;
	v1 =	vshrl.u32 v2, $0x3;
	s7 =	simm.s32 $0x2;
	s8 =	simm.s32 $0xB100;
	[dreg:$0x6] =	wrdreg s1  }
0x15: {  	v0 =	vand.u32 $0x7, v2;
	v2 =	vor.u32 $0x8, v2;
	v1 =	vmul.u32 $0x8, v1;
	[dreg:$0x8] =	wrdreg s25;
	s25 =	simm.s32 $0x7900;
	s1 =	simm.s32 $0xC100  }
.LBB2_1:
0x16: {  	s10 =	rddreg [dreg:$0x3]  }
0x17: {  	s11 =	rddreg [dreg:$0x4]  }
0x18: {  	[tilespmem:s2], [sflag:$0x2] =	stream.linear.gather [hbm4b:s10+s2], $0x80, $0x38;
	[tilespmem:$0x18100] =	vst v63  }
0x19: {  	s12 =	rddreg [dreg:$0x9]  }
0x1a: {  	[tilespmem:s12], [sflag:$0x2] =	stream.linear.gather [hbm4b:s11+s2], $0x80, $0x38;
	[tilespmem:$0x18100] =	vst v63  }
0x1b: {  	_ =	swait.ge [sflag:s7], $0x80  }
0x1c: {  	[sflag:s7] =	ssyncset.done $0x0  }
0x1d: {  	[sflag:s7] =	ssyncadd.s32 $0xFFFFFF80  }
0x1e: {  	_ =	swait.ge [sflag:s7], $0x80  }
0x1f: {  	[sflag:s7] =	ssyncset.done $0x0  }
0x20: {  	[sflag:s7] =	ssyncadd.s32 $0xFFFFFF80  }
0x21: {  	v3 =	vld [tilespmem:$0x0];
	_ =	sdelay $0x4  }
0x22: {  	v4 =	vshrl.u32 v3, $0x3  }
0x23: {  	v4 =	vmul.u32 $0x30, v4  }
0x24: {  	v3 =	vand.u32 $0x7, v3  }
0x25: {  	v3 =	vor.u32 v3, v4  }
0x26: {  	v4 =	vperm.xlane v3, v0;
	_ =	sdelay $0x1  }
0x27: {  	v4 =	vadd.s32 v1, v4;
	_ =	sdelay $0x3  }
0x28: {  	s0 =	simm.s32 $0x100;
	v3 =	vperm.xlane v3, v2  }
0x29: {  	[tilespmem:s0], [sflag:$0x1] =	stream.indirect_vreg.gather [hbm4b:s3+s2], $0x80, v4, vm0, $0xb8;
	[tilespmem:$0x18100] =	vst v63  }
0x2a: {  	s11 =	simm.s32 $0x900;
	v3 =	vadd.s32 v1, v3  }
0x2b: {  	[tilespmem:s11], [sflag:$0x1] =	stream.indirect_vreg.gather [hbm4b:s4+s2], $0x80, v4, vm0, $0xb8;
	[tilespmem:$0x18100] =	vst v63  }
0x2c: {  	s12 =	simm.s32 $0x1100  }
0x2d: {  	[tilespmem:s12], [sflag:$0x1] =	stream.indirect_vreg.gather [hbm4b:s5+s2], $0x80, v4, vm0, $0xb8;
	[tilespmem:$0x18100] =	vst v63  }
0x2e: {  	_ = 	snop  }
0x2f: {  	[tilespmem:s13], [sflag:$0x1] =	stream.indirect_vreg.gather [hbm4b:s3+s2], $0x80, v3, vm0, $0xb8;
	[tilespmem:$0x18100] =	vst v63  }
0x30: {  	_ = 	snop  }
0x31: {  	[tilespmem:s14], [sflag:$0x1] =	stream.indirect_vreg.gather [hbm4b:s4+s2], $0x80, v3, vm0, $0xb8;
	[tilespmem:$0x18100] =	vst v63  }
0x32: {  	_ = 	snop  }
0x33: {  	[tilespmem:s15], [sflag:$0x1] =	stream.indirect_vreg.gather [hbm4b:s5+s2], $0x80, v3, vm0, $0xb8;
	[tilespmem:$0x18100] =	vst v63  }
0x34: {  	v3 =	vld [tilespmem:$0x10];
	_ =	sdelay $0x4  }
0x35: {  	v49 =	vshrl.u32 v3, $0x3  }
0x36: {  	v4 =	vmul.u32 $0x30, v49  }
0x37: {  	v3 =	vand.u32 $0x7, v3  }
0x38: {  	v3 =	vor.u32 v3, v4  }
0x39: {  	v4 =	vperm.xlane v3, v0;
	_ =	sdelay $0x1  }
0x3a: {  	v4 =	vadd.s32 v1, v4;
	_ =	sdelay $0x3  }
0x3b: {  	v3 =	vperm.xlane v3, v2  }
0x3c: {  	[tilespmem:s16], [sflag:$0x1] =	stream.indirect_vreg.gather [hbm4b:s3+s2], $0x80, v4, vm0, $0xb8;
	[tilespmem:$0x18100] =	vst v63  }
0x3d: {  	v3 =	vadd.s32 v1, v3  }
0x3e: {  	[tilespmem:s17], [sflag:$0x1] =	stream.indirect_vreg.gather [hbm4b:s4+s2], $0x80, v4, vm0, $0xb8;
	[tilespmem:$0x18100] =	vst v63  }
0x3f: {  	_ = 	snop  }
0x40: {  	[tilespmem:s18], [sflag:$0x1] =	stream.indirect_vreg.gather [hbm4b:s5+s2], $0x80, v4, vm0, $0xb8;
	[tilespmem:$0x18100] =	vst v63  }
0x41: {  	_ = 	snop  }
0x42: {  	[tilespmem:s19], [sflag:$0x1] =	stream.indirect_vreg.gather [hbm4b:s3+s2], $0x80, v3, vm0, $0xb8;
	[tilespmem:$0x18100] =	vst v63  }
0x43: {  	_ = 	snop  }
0x44: {  	[tilespmem:s20], [sflag:$0x1] =	stream.indirect_vreg.gather [hbm4b:s4+s2], $0x80, v3, vm0, $0xb8;
	[tilespmem:$0x18100] =	vst v63  }
0x45: {  	_ = 	snop  }
0x46: {  	[tilespmem:s21], [sflag:$0x1] =	stream.indirect_vreg.gather [hbm4b:s5+s2], $0x80, v3, vm0, $0xb8;
	[tilespmem:$0x18100] =	vst v63  }
0x47: {  	v3 =	vld [tilespmem:$0x20];
	_ =	sdelay $0x4  }
0x48: {  	v50 =	vshrl.u32 v3, $0x3  }
0x49: {  	v4 =	vmul.u32 $0x30, v50  }
0x4a: {  	v3 =	vand.u32 $0x7, v3  }
0x4b: {  	v3 =	vor.u32 v3, v4  }
0x4c: {  	v4 =	vperm.xlane v3, v0;
	_ =	sdelay $0x1  }
0x4d: {  	v4 =	vadd.s32 v1, v4;
	_ =	sdelay $0x3  }
0x4e: {  	v3 =	vperm.xlane v3, v2  }
0x4f: {  	[tilespmem:s22], [sflag:$0x1] =	stream.indirect_vreg.gather [hbm4b:s3+s2], $0x80, v4, vm0, $0xb8;
	[tilespmem:$0x18100] =	vst v63  }
0x50: {  	v3 =	vadd.s32 v1, v3  }
0x51: {  	[tilespmem:s23], [sflag:$0x1] =	stream.indirect_vreg.gather [hbm4b:s4+s2], $0x80, v4, vm0, $0xb8;
	[tilespmem:$0x18100] =	vst v63  }
0x52: {  	_ = 	snop  }
0x53: {  	[tilespmem:s24], [sflag:$0x1] =	stream.indirect_vreg.gather [hbm4b:s5+s2], $0x80, v4, vm0, $0xb8;
	[tilespmem:$0x18100] =	vst v63  }
0x54: {  	_ = 	snop  }
0x55: {  	[tilespmem:s25], [sflag:$0x1] =	stream.indirect_vreg.gather [hbm4b:s3+s2], $0x80, v3, vm0, $0xb8;
	[tilespmem:$0x18100] =	vst v63  }
0x56: {  	_ = 	snop  }
0x57: {  	[tilespmem:s26], [sflag:$0x1] =	stream.indirect_vreg.gather [hbm4b:s4+s2], $0x80, v3, vm0, $0xb8;
	[tilespmem:$0x18100] =	vst v63  }
0x58: {  	_ = 	snop  }
0x59: {  	[tilespmem:s28], [sflag:$0x1] =	stream.indirect_vreg.gather [hbm4b:s5+s2], $0x80, v3, vm0, $0xb8;
	[tilespmem:$0x18100] =	vst v63  }
0x5a: {  	v3 =	vld [tilespmem:$0x30];
	_ =	sdelay $0x4  }
0x5b: {  	v51 =	vshrl.u32 v3, $0x3  }
0x5c: {  	v4 =	vmul.u32 $0x30, v51  }
0x5d: {  	v3 =	vand.u32 $0x7, v3  }
0x5e: {  	v3 =	vor.u32 v3, v4  }
0x5f: {  	v4 =	vperm.xlane v3, v0;
	_ =	sdelay $0x1  }
0x60: {  	v4 =	vadd.s32 v1, v4;
	_ =	sdelay $0x3  }
0x61: {  	v3 =	vperm.xlane v3, v2  }
0x62: {  	[tilespmem:s29], [sflag:$0x1] =	stream.indirect_vreg.gather [hbm4b:s3+s2], $0x80, v4, vm0, $0xb8;
	[tilespmem:$0x18100] =	vst v63  }
0x63: {  	v3 =	vadd.s32 v1, v3  }
0x64: {  	[tilespmem:s30], [sflag:$0x1] =	stream.indirect_vreg.gather [hbm4b:s4+s2], $0x80, v4, vm0, $0xb8;
	[tilespmem:$0x18100] =	vst v63  }
0x65: {  	_ = 	snop  }
0x66: {  	[tilespmem:s31], [sflag:$0x1] =	stream.indirect_vreg.gather [hbm4b:s5+s2], $0x80, v4, vm0, $0xb8;
	[tilespmem:$0x18100] =	vst v63  }
0x67: {  	s10 =	simm.s32 $0xA900  }
0x68: {  	[tilespmem:s10], [sflag:$0x1] =	stream.indirect_vreg.gather [hbm4b:s3+s2], $0x80, v3, vm0, $0xb8;
	[tilespmem:$0x18100] =	vst v63  }
0x69: {  	_ = 	snop  }
0x6a: {  	[tilespmem:s8], [sflag:$0x1] =	stream.indirect_vreg.gather [hbm4b:s4+s2], $0x80, v3, vm0, $0xb8;
	[tilespmem:$0x18100] =	vst v63  }
0x6b: {  	s10 =	simm.s32 $0xB900  }
0x6c: {  	[tilespmem:s10], [sflag:$0x1] =	stream.indirect_vreg.gather [hbm4b:s5+s2], $0x80, v3, vm0, $0xb8;
	[tilespmem:$0x18100] =	vst v63  }
0x6d: {  	v3 =	vld [tilespmem:$0x40];
	_ =	sdelay $0x4  }
0x6e: {  	v52 =	vshrl.u32 v3, $0x3  }
0x6f: {  	v4 =	vmul.u32 $0x30, v52  }
0x70: {  	v3 =	vand.u32 $0x7, v3  }
0x71: {  	v3 =	vor.u32 v3, v4  }
0x72: {  	v4 =	vperm.xlane v3, v0;
	_ =	sdelay $0x1  }
0x73: {  	v4 =	vadd.s32 v1, v4;
	_ =	sdelay $0x3  }
0x74: {  	v3 =	vperm.xlane v3, v2  }
0x75: {  	[tilespmem:s1], [sflag:$0x1] =	stream.indirect_vreg.gather [hbm4b:s3+s2], $0x80, v4, vm0, $0xb8;
	[tilespmem:$0x18100] =	vst v63  }
0x76: {  	s10 =	simm.s32 $0xC900;
	v3 =	vadd.s32 v1, v3  }
0x77: {  	[tilespmem:s10], [sflag:$0x1] =	stream.indirect_vreg.gather [hbm4b:s4+s2], $0x80, v4, vm0, $0xb8;
	[tilespmem:$0x18100] =	vst v63  }
0x78: {  	s10 =	simm.s32 $0xD100  }
0x79: {  	[tilespmem:s10], [sflag:$0x1] =	stream.indirect_vreg.gather [hbm4b:s5+s2], $0x80, v4, vm0, $0xb8;
	[tilespmem:$0x18100] =	vst v63  }
0x7a: {  	s10 =	simm.s32 $0xD900  }
0x7b: {  	[tilespmem:s10], [sflag:$0x1] =	stream.indirect_vreg.gather [hbm4b:s3+s2], $0x80, v3, vm0, $0xb8;
	[tilespmem:$0x18100] =	vst v63  }
0x7c: {  	s10 =	simm.s32 $0xE100  }
0x7d: {  	[tilespmem:s10], [sflag:$0x1] =	stream.indirect_vreg.gather [hbm4b:s4+s2], $0x80, v3, vm0, $0xb8;
	[tilespmem:$0x18100] =	vst v63  }
0x7e: {  	s10 =	simm.s32 $0xE900  }
0x7f: {  	[tilespmem:s10], [sflag:$0x1] =	stream.indirect_vreg.gather [hbm4b:s5+s2], $0x80, v3, vm0, $0xb8;
	[tilespmem:$0x18100] =	vst v63  }
0x80: {  	v3 =	vld [tilespmem:$0x50];
	_ =	sdelay $0x4  }
0x81: {  	v53 =	vshrl.u32 v3, $0x3  }
0x82: {  	v4 =	vmul.u32 $0x30, v53  }
0x83: {  	v3 =	vand.u32 $0x7, v3  }
0x84: {  	v3 =	vor.u32 v3, v4  }
0x85: {  	v4 =	vperm.xlane v3, v0;
	_ =	sdelay $0x1  }
0x86: {  	v4 =	vadd.s32 v1, v4;
	_ =	sdelay $0x3  }
0x87: {  	s10 =	simm.s32 $0xF100;
	v3 =	vperm.xlane v3, v2  }
0x88: {  	[tilespmem:s10], [sflag:$0x1] =	stream.indirect_vreg.gather [hbm4b:s3+s2], $0x80, v4, vm0, $0xb8;
	[tilespmem:$0x18100] =	vst v63  }
0x89: {  	v3 =	vadd.s32 v1, v3;
	s10 =	simm.s32 $0xF900  }
0x8a: {  	[tilespmem:s10], [sflag:$0x1] =	stream.indirect_vreg.gather [hbm4b:s4+s2], $0x80, v4, vm0, $0xb8;
	[tilespmem:$0x18100] =	vst v63  }
0x8b: {  	s10 =	simm.s32 $0x10100  }
0x8c: {  	[tilespmem:s10], [sflag:$0x1] =	stream.indirect_vreg.gather [hbm4b:s5+s2], $0x80, v4, vm0, $0xb8;
	[tilespmem:$0x18100] =	vst v63  }
0x8d: {  	s10 =	simm.s32 $0x10900  }
0x8e: {  	[tilespmem:s10], [sflag:$0x1] =	stream.indirect_vreg.gather [hbm4b:s3+s2], $0x80, v3, vm0, $0xb8;
	[tilespmem:$0x18100] =	vst v63  }
0x8f: {  	s10 =	simm.s32 $0x11100  }
0x90: {  	[tilespmem:s10], [sflag:$0x1] =	stream.indirect_vreg.gather [hbm4b:s4+s2], $0x80, v3, vm0, $0xb8;
	[tilespmem:$0x18100] =	vst v63  }
0x91: {  	s10 =	simm.s32 $0x11900  }
0x92: {  	[tilespmem:s10], [sflag:$0x1] =	stream.indirect_vreg.gather [hbm4b:s5+s2], $0x80, v3, vm0, $0xb8;
	[tilespmem:$0x18100] =	vst v63  }
0x93: {  	v3 =	vld [tilespmem:$0x60];
	_ =	sdelay $0x4  }
0x94: {  	v54 =	vshrl.u32 v3, $0x3  }
0x95: {  	v4 =	vmul.u32 $0x30, v54  }
0x96: {  	v3 =	vand.u32 $0x7, v3  }
0x97: {  	v3 =	vor.u32 v3, v4  }
0x98: {  	v4 =	vperm.xlane v3, v0;
	_ =	sdelay $0x1  }
0x99: {  	v4 =	vadd.s32 v1, v4;
	_ =	sdelay $0x3  }
0x9a: {  	s10 =	simm.s32 $0x12100;
	v3 =	vperm.xlane v3, v2  }
0x9b: {  	[tilespmem:s10], [sflag:$0x1] =	stream.indirect_vreg.gather [hbm4b:s3+s2], $0x80, v4, vm0, $0xb8;
	[tilespmem:$0x18100] =	vst v63  }
0x9c: {  	v3 =	vadd.s32 v1, v3;
	s10 =	simm.s32 $0x12900  }
0x9d: {  	[tilespmem:s10], [sflag:$0x1] =	stream.indirect_vreg.gather [hbm4b:s4+s2], $0x80, v4, vm0, $0xb8;
	[tilespmem:$0x18100] =	vst v63  }
0x9e: {  	s10 =	simm.s32 $0x13100  }
0x9f: {  	[tilespmem:s10], [sflag:$0x1] =	stream.indirect_vreg.gather [hbm4b:s5+s2], $0x80, v4, vm0, $0xb8;
	[tilespmem:$0x18100] =	vst v63  }
0xa0: {  	s10 =	simm.s32 $0x13900  }
0xa1: {  	[tilespmem:s10], [sflag:$0x1] =	stream.indirect_vreg.gather [hbm4b:s3+s2], $0x80, v3, vm0, $0xb8;
	[tilespmem:$0x18100] =	vst v63  }
0xa2: {  	s10 =	simm.s32 $0x14100  }
0xa3: {  	[tilespmem:s10], [sflag:$0x1] =	stream.indirect_vreg.gather [hbm4b:s4+s2], $0x80, v3, vm0, $0xb8;
	[tilespmem:$0x18100] =	vst v63  }
0xa4: {  	s10 =	simm.s32 $0x14900  }
0xa5: {  	[tilespmem:s10], [sflag:$0x1] =	stream.indirect_vreg.gather [hbm4b:s5+s2], $0x80, v3, vm0, $0xb8;
	[tilespmem:$0x18100] =	vst v63  }
0xa6: {  	v3 =	vld [tilespmem:$0x70];
	_ =	sdelay $0x4  }
0xa7: {  	v55 =	vshrl.u32 v3, $0x3  }
0xa8: {  	v4 =	vmul.u32 $0x30, v55  }
0xa9: {  	v3 =	vand.u32 $0x7, v3  }
0xaa: {  	v3 =	vor.u32 v3, v4  }
0xab: {  	v4 =	vperm.xlane v3, v0;
	_ =	sdelay $0x1  }
0xac: {  	v4 =	vadd.s32 v1, v4;
	_ =	sdelay $0x3  }
0xad: {  	s10 =	simm.s32 $0x15100;
	v3 =	vperm.xlane v3, v2  }
0xae: {  	[tilespmem:s10], [sflag:$0x1] =	stream.indirect_vreg.gather [hbm4b:s3+s2], $0x80, v4, vm0, $0xb8;
	[tilespmem:$0x18100] =	vst v63  }
0xaf: {  	v3 =	vadd.s32 v1, v3;
	s10 =	simm.s32 $0x15900  }
0xb0: {  	[tilespmem:s10], [sflag:$0x1] =	stream.indirect_vreg.gather [hbm4b:s4+s2], $0x80, v4, vm0, $0xb8;
	[tilespmem:$0x18100] =	vst v63  }
0xb1: {  	s10 =	simm.s32 $0x16100  }
0xb2: {  	[tilespmem:s10], [sflag:$0x1] =	stream.indirect_vreg.gather [hbm4b:s5+s2], $0x80, v4, vm0, $0xb8;
	[tilespmem:$0x18100] =	vst v63  }
0xb3: {  	s10 =	simm.s32 $0x16900  }
0xb4: {  	[tilespmem:s10], [sflag:$0x1] =	stream.indirect_vreg.gather [hbm4b:s3+s2], $0x80, v3, vm0, $0xb8;
	[tilespmem:$0x18100] =	vst v63  }
0xb5: {  	s10 =	simm.s32 $0x17100  }
0xb6: {  	[tilespmem:s10], [sflag:$0x1] =	stream.indirect_vreg.gather [hbm4b:s4+s2], $0x80, v3, vm0, $0xb8;
	[tilespmem:$0x18100] =	vst v63  }
0xb7: {  	s10 =	simm.s32 $0x17900  }
0xb8: {  	[tilespmem:s10], [sflag:$0x1] =	stream.indirect_vreg.gather [hbm4b:s5+s2], $0x80, v3, vm0, $0xb8;
	[tilespmem:$0x18100] =	vst v63  }
0xb9: {  	_ =	swait.ge [sflag:s9], $0xC000  }
0xba: {  	[sflag:s9] =	ssyncset.done $0x0  }
0xbb: {  	s0 =	simm.s32 $0x100;
	s10 =	rddreg [dreg:$0x5];
	[sflag:s9] =	ssyncadd.s32 $0xFFFF4000  }
0xbc: {  	[hbm4b:s10+s2] =	stream.linear.scatter [tilespmem:s0], [sflag:$0x2], $0xC000, $0x38;
	[tilespmem:$0x18100] =	vst v63  }
0xbd: {  	_ =	swait.ge [sflag:s9], $0xC000  }
0xbe: {  	[sflag:s9] =	ssyncset.done $0x0  }
0xbf: {  	s10 =	rddreg [dreg:$0x6];
	[sflag:s9] =	ssyncadd.s32 $0xFFFF4000  }
0xc0: {  	[hbm4b:s10+s2] =	stream.linear.scatter [tilespmem:s1], [sflag:$0x2], $0xC000, $0x38;
	[tilespmem:$0x18100] =	vst v63  }
0xc1: {  	_ =	swait.ge [sflag:s7], $0xC000  }
0xc2: {  	[sflag:s7] =	ssyncset.done $0x0  }
0xc3: {  	[sflag:s7] =	ssyncadd.s32 $0xFFFF4000  }
0xc4: {  	v3 =	vld [tilespmem:$0x80];
	_ =	sdelay $0x4  }
0xc5: {  	v56 =	vshrl.u32 v3, $0x3  }
0xc6: {  	v4 =	vmul.u32 $0x30, v56  }
0xc7: {  	v3 =	vand.u32 $0x7, v3  }
0xc8: {  	v3 =	vor.u32 v3, v4  }
0xc9: {  	v4 =	vperm.xlane v3, v0;
	_ =	sdelay $0x1  }
0xca: {  	v4 =	vadd.s32 v1, v4;
	_ =	sdelay $0x3  }
0xcb: {  	v3 =	vperm.xlane v3, v2  }
0xcc: {  	[tilespmem:s0], [sflag:$0x1] =	stream.indirect_vreg.gather [hbm4b:s3+s2], $0x80, v4, vm0, $0xb8;
	[tilespmem:$0x18100] =	vst v63  }
0xcd: {  	v3 =	vadd.s32 v1, v3  }
0xce: {  	[tilespmem:s11], [sflag:$0x1] =	stream.indirect_vreg.gather [hbm4b:s4+s2], $0x80, v4, vm0, $0xb8;
	[tilespmem:$0x18100] =	vst v63  }
0xcf: {  	_ = 	snop  }
0xd0: {  	[tilespmem:s12], [sflag:$0x1] =	stream.indirect_vreg.gather [hbm4b:s5+s2], $0x80, v4, vm0, $0xb8;
	[tilespmem:$0x18100] =	vst v63  }
0xd1: {  	_ = 	snop  }
0xd2: {  	[tilespmem:s13], [sflag:$0x1] =	stream.indirect_vreg.gather [hbm4b:s3+s2], $0x80, v3, vm0, $0xb8;
	[tilespmem:$0x18100] =	vst v63  }
0xd3: {  	_ = 	snop  }
0xd4: {  	[tilespmem:s14], [sflag:$0x1] =	stream.indirect_vreg.gather [hbm4b:s4+s2], $0x80, v3, vm0, $0xb8;
	[tilespmem:$0x18100] =	vst v63  }
0xd5: {  	_ = 	snop  }
0xd6: {  	[tilespmem:s15], [sflag:$0x1] =	stream.indirect_vreg.gather [hbm4b:s5+s2], $0x80, v3, vm0, $0xb8;
	[tilespmem:$0x18100] =	vst v63  }
0xd7: {  	v3 =	vld [tilespmem:$0x90];
	_ =	sdelay $0x4  }
0xd8: {  	v57 =	vshrl.u32 v3, $0x3  }
0xd9: {  	v4 =	vmul.u32 $0x30, v57  }
0xda: {  	v3 =	vand.u32 $0x7, v3  }
0xdb: {  	v3 =	vor.u32 v3, v4  }
0xdc: {  	v4 =	vperm.xlane v3, v0;
	_ =	sdelay $0x1  }
0xdd: {  	v4 =	vadd.s32 v1, v4;
	_ =	sdelay $0x3  }
0xde: {  	v3 =	vperm.xlane v3, v2  }
0xdf: {  	[tilespmem:s16], [sflag:$0x1] =	stream.indirect_vreg.gather [hbm4b:s3+s2], $0x80, v4, vm0, $0xb8;
	[tilespmem:$0x18100] =	vst v63  }
0xe0: {  	v3 =	vadd.s32 v1, v3  }
0xe1: {  	[tilespmem:s17], [sflag:$0x1] =	stream.indirect_vreg.gather [hbm4b:s4+s2], $0x80, v4, vm0, $0xb8;
	[tilespmem:$0x18100] =	vst v63  }
0xe2: {  	_ = 	snop  }
0xe3: {  	[tilespmem:s18], [sflag:$0x1] =	stream.indirect_vreg.gather [hbm4b:s5+s2], $0x80, v4, vm0, $0xb8;
	[tilespmem:$0x18100] =	vst v63  }
0xe4: {  	_ = 	snop  }
0xe5: {  	[tilespmem:s19], [sflag:$0x1] =	stream.indirect_vreg.gather [hbm4b:s3+s2], $0x80, v3, vm0, $0xb8;
	[tilespmem:$0x18100] =	vst v63  }
0xe6: {  	_ = 	snop  }
0xe7: {  	[tilespmem:s20], [sflag:$0x1] =	stream.indirect_vreg.gather [hbm4b:s4+s2], $0x80, v3, vm0, $0xb8;
	[tilespmem:$0x18100] =	vst v63  }
0xe8: {  	_ = 	snop  }
0xe9: {  	[tilespmem:s21], [sflag:$0x1] =	stream.indirect_vreg.gather [hbm4b:s5+s2], $0x80, v3, vm0, $0xb8;
	[tilespmem:$0x18100] =	vst v63  }
0xea: {  	v3 =	vld [tilespmem:$0xA0];
	_ =	sdelay $0x4  }
0xeb: {  	v58 =	vshrl.u32 v3, $0x3  }
0xec: {  	v4 =	vmul.u32 $0x30, v58  }
0xed: {  	v3 =	vand.u32 $0x7, v3  }
0xee: {  	v3 =	vor.u32 v3, v4  }
0xef: {  	v4 =	vperm.xlane v3, v0;
	_ =	sdelay $0x1  }
0xf0: {  	v4 =	vadd.s32 v1, v4;
	_ =	sdelay $0x3  }
0xf1: {  	v3 =	vperm.xlane v3, v2  }
0xf2: {  	[tilespmem:s22], [sflag:$0x1] =	stream.indirect_vreg.gather [hbm4b:s3+s2], $0x80, v4, vm0, $0xb8;
	[tilespmem:$0x18100] =	vst v63  }
0xf3: {  	v3 =	vadd.s32 v1, v3  }
0xf4: {  	[tilespmem:s23], [sflag:$0x1] =	stream.indirect_vreg.gather [hbm4b:s4+s2], $0x80, v4, vm0, $0xb8;
	[tilespmem:$0x18100] =	vst v63  }
0xf5: {  	_ = 	snop  }
0xf6: {  	[tilespmem:s24], [sflag:$0x1] =	stream.indirect_vreg.gather [hbm4b:s5+s2], $0x80, v4, vm0, $0xb8;
	[tilespmem:$0x18100] =	vst v63  }
0xf7: {  	_ = 	snop  }
0xf8: {  	[tilespmem:s25], [sflag:$0x1] =	stream.indirect_vreg.gather [hbm4b:s3+s2], $0x80, v3, vm0, $0xb8;
	[tilespmem:$0x18100] =	vst v63  }
0xf9: {  	_ = 	snop  }
0xfa: {  	[tilespmem:s26], [sflag:$0x1] =	stream.indirect_vreg.gather [hbm4b:s4+s2], $0x80, v3, vm0, $0xb8;
	[tilespmem:$0x18100] =	vst v63  }
0xfb: {  	_ = 	snop  }
0xfc: {  	[tilespmem:s28], [sflag:$0x1] =	stream.indirect_vreg.gather [hbm4b:s5+s2], $0x80, v3, vm0, $0xb8;
	[tilespmem:$0x18100] =	vst v63  }
0xfd: {  	v3 =	vld [tilespmem:$0xB0];
	_ =	sdelay $0x4  }
0xfe: {  	v59 =	vshrl.u32 v3, $0x3  }
0xff: {  	v4 =	vmul.u32 $0x30, v59  }
0x100: {  	v3 =	vand.u32 $0x7, v3  }
0x101: {  	v3 =	vor.u32 v3, v4  }
0x102: {  	v4 =	vperm.xlane v3, v0;
	_ =	sdelay $0x1  }
0x103: {  	v4 =	vadd.s32 v1, v4;
	_ =	sdelay $0x3  }
0x104: {  	v3 =	vperm.xlane v3, v2  }
0x105: {  	[tilespmem:s29], [sflag:$0x1] =	stream.indirect_vreg.gather [hbm4b:s3+s2], $0x80, v4, vm0, $0xb8;
	[tilespmem:$0x18100] =	vst v63  }
0x106: {  	v3 =	vadd.s32 v1, v3  }
0x107: {  	[tilespmem:s30], [sflag:$0x1] =	stream.indirect_vreg.gather [hbm4b:s4+s2], $0x80, v4, vm0, $0xb8;
	[tilespmem:$0x18100] =	vst v63  }
0x108: {  	_ = 	snop  }
0x109: {  	[tilespmem:s31], [sflag:$0x1] =	stream.indirect_vreg.gather [hbm4b:s5+s2], $0x80, v4, vm0, $0xb8;
	[tilespmem:$0x18100] =	vst v63  }
0x10a: {  	s12 =	simm.s32 $0xA900  }
0x10b: {  	[tilespmem:s12], [sflag:$0x1] =	stream.indirect_vreg.gather [hbm4b:s3+s2], $0x80, v3, vm0, $0xb8;
	[tilespmem:$0x18100] =	vst v63  }
0x10c: {  	_ = 	snop  }
0x10d: {  	[tilespmem:s8], [sflag:$0x1] =	stream.indirect_vreg.gather [hbm4b:s4+s2], $0x80, v3, vm0, $0xb8;
	[tilespmem:$0x18100] =	vst v63  }
0x10e: {  	s10 =	simm.s32 $0xB900  }
0x10f: {  	[tilespmem:s10], [sflag:$0x1] =	stream.indirect_vreg.gather [hbm4b:s5+s2], $0x80, v3, vm0, $0xb8;
	[tilespmem:$0x18100] =	vst v63  }
0x110: {  	_ =	swait.ge [sflag:s7], $0xC000  }
0x111: {  	[sflag:s7] =	ssyncset.done $0x0  }
0x112: {  	[sflag:s7] =	ssyncadd.s32 $0xFFFF4000  }
0x113: {  	v3 =	vld [tilespmem:$0xC0];
	_ =	sdelay $0x4  }
0x114: {  	v60 =	vshrl.u32 v3, $0x3  }
0x115: {  	v4 =	vmul.u32 $0x30, v60  }
0x116: {  	v3 =	vand.u32 $0x7, v3  }
0x117: {  	v3 =	vor.u32 v3, v4  }
0x118: {  	v4 =	vperm.xlane v3, v0;
	_ =	sdelay $0x1  }
0x119: {  	v4 =	vadd.s32 v1, v4;
	_ =	sdelay $0x3  }
0x11a: {  	v3 =	vperm.xlane v3, v2  }
0x11b: {  	[tilespmem:s1], [sflag:$0x1] =	stream.indirect_vreg.gather [hbm4b:s3+s2], $0x80, v4, vm0, $0xb8;
	[tilespmem:$0x18100] =	vst v63  }
0x11c: {  	s11 =	simm.s32 $0xC900;
	v3 =	vadd.s32 v1, v3  }
0x11d: {  	[tilespmem:s11], [sflag:$0x1] =	stream.indirect_vreg.gather [hbm4b:s4+s2], $0x80, v4, vm0, $0xb8;
	[tilespmem:$0x18100] =	vst v63  }
0x11e: {  	s12 =	simm.s32 $0xD100  }
0x11f: {  	[tilespmem:s12], [sflag:$0x1] =	stream.indirect_vreg.gather [hbm4b:s5+s2], $0x80, v4, vm0, $0xb8;
	[tilespmem:$0x18100] =	vst v63  }
0x120: {  	s10 =	simm.s32 $0xD900  }
0x121: {  	[tilespmem:s10], [sflag:$0x1] =	stream.indirect_vreg.gather [hbm4b:s3+s2], $0x80, v3, vm0, $0xb8;
	[tilespmem:$0x18100] =	vst v63  }
0x122: {  	s11 =	simm.s32 $0xE100  }
0x123: {  	[tilespmem:s11], [sflag:$0x1] =	stream.indirect_vreg.gather [hbm4b:s4+s2], $0x80, v3, vm0, $0xb8;
	[tilespmem:$0x18100] =	vst v63  }
0x124: {  	s12 =	simm.s32 $0xE900  }
0x125: {  	[tilespmem:s12], [sflag:$0x1] =	stream.indirect_vreg.gather [hbm4b:s5+s2], $0x80, v3, vm0, $0xb8;
	[tilespmem:$0x18100] =	vst v63  }
0x126: {  	v3 =	vld [tilespmem:$0xD0];
	_ =	sdelay $0x4  }
0x127: {  	v61 =	vshrl.u32 v3, $0x3  }
0x128: {  	v4 =	vmul.u32 $0x30, v61  }
0x129: {  	v3 =	vand.u32 $0x7, v3  }
0x12a: {  	v3 =	vor.u32 v3, v4  }
0x12b: {  	v4 =	vperm.xlane v3, v0;
	_ =	sdelay $0x1  }
0x12c: {  	v4 =	vadd.s32 v1, v4;
	_ =	sdelay $0x3  }
0x12d: {  	s10 =	simm.s32 $0xF100;
	v3 =	vperm.xlane v3, v2  }
0x12e: {  	[tilespmem:s10], [sflag:$0x1] =	stream.indirect_vreg.gather [hbm4b:s3+s2], $0x80, v4, vm0, $0xb8;
	[tilespmem:$0x18100] =	vst v63  }
0x12f: {  	s11 =	simm.s32 $0xF900;
	v3 =	vadd.s32 v1, v3  }
0x130: {  	[tilespmem:s11], [sflag:$0x1] =	stream.indirect_vreg.gather [hbm4b:s4+s2], $0x80, v4, vm0, $0xb8;
	[tilespmem:$0x18100] =	vst v63  }
0x131: {  	s12 =	simm.s32 $0x10100  }
0x132: {  	[tilespmem:s12], [sflag:$0x1] =	stream.indirect_vreg.gather [hbm4b:s5+s2], $0x80, v4, vm0, $0xb8;
	[tilespmem:$0x18100] =	vst v63  }
0x133: {  	s10 =	simm.s32 $0x10900  }
0x134: {  	[tilespmem:s10], [sflag:$0x1] =	stream.indirect_vreg.gather [hbm4b:s3+s2], $0x80, v3, vm0, $0xb8;
	[tilespmem:$0x18100] =	vst v63  }
0x135: {  	s11 =	simm.s32 $0x11100  }
0x136: {  	[tilespmem:s11], [sflag:$0x1] =	stream.indirect_vreg.gather [hbm4b:s4+s2], $0x80, v3, vm0, $0xb8;
	[tilespmem:$0x18100] =	vst v63  }
0x137: {  	s12 =	simm.s32 $0x11900  }
0x138: {  	[tilespmem:s12], [sflag:$0x1] =	stream.indirect_vreg.gather [hbm4b:s5+s2], $0x80, v3, vm0, $0xb8;
	[tilespmem:$0x18100] =	vst v63  }
0x139: {  	v3 =	vld [tilespmem:$0xE0];
	_ =	sdelay $0x4  }
0x13a: {  	v62 =	vshrl.u32 v3, $0x3  }
0x13b: {  	v4 =	vmul.u32 $0x30, v62  }
0x13c: {  	v3 =	vand.u32 $0x7, v3  }
0x13d: {  	v3 =	vor.u32 v3, v4  }
0x13e: {  	v4 =	vperm.xlane v3, v0;
	_ =	sdelay $0x1  }
0x13f: {  	v4 =	vadd.s32 v1, v4;
	_ =	sdelay $0x3  }
0x140: {  	s10 =	simm.s32 $0x12100;
	v3 =	vperm.xlane v3, v2  }
0x141: {  	[tilespmem:s10], [sflag:$0x1] =	stream.indirect_vreg.gather [hbm4b:s3+s2], $0x80, v4, vm0, $0xb8;
	[tilespmem:$0x18100] =	vst v63  }
0x142: {  	s11 =	simm.s32 $0x12900;
	v3 =	vadd.s32 v1, v3  }
0x143: {  	[tilespmem:s11], [sflag:$0x1] =	stream.indirect_vreg.gather [hbm4b:s4+s2], $0x80, v4, vm0, $0xb8;
	[tilespmem:$0x18100] =	vst v63  }
0x144: {  	s12 =	simm.s32 $0x13100  }
0x145: {  	[tilespmem:s12], [sflag:$0x1] =	stream.indirect_vreg.gather [hbm4b:s5+s2], $0x80, v4, vm0, $0xb8;
	[tilespmem:$0x18100] =	vst v63  }
0x146: {  	s10 =	simm.s32 $0x13900  }
0x147: {  	[tilespmem:s10], [sflag:$0x1] =	stream.indirect_vreg.gather [hbm4b:s3+s2], $0x80, v3, vm0, $0xb8;
	[tilespmem:$0x18100] =	vst v63  }
0x148: {  	s11 =	simm.s32 $0x14100  }
0x149: {  	[tilespmem:s11], [sflag:$0x1] =	stream.indirect_vreg.gather [hbm4b:s4+s2], $0x80, v3, vm0, $0xb8;
	[tilespmem:$0x18100] =	vst v63  }
0x14a: {  	s12 =	simm.s32 $0x14900  }
0x14b: {  	[tilespmem:s12], [sflag:$0x1] =	stream.indirect_vreg.gather [hbm4b:s5+s2], $0x80, v3, vm0, $0xb8;
	[tilespmem:$0x18100] =	vst v63  }
0x14c: {  	v3 =	vld [tilespmem:$0xF0];
	_ =	sdelay $0x4  }
0x14d: {  	v63 =	vshrl.u32 v3, $0x3  }
0x14e: {  	v4 =	vmul.u32 $0x30, v63  }
0x14f: {  	v3 =	vand.u32 $0x7, v3  }
0x150: {  	v3 =	vor.u32 v3, v4  }
0x151: {  	v4 =	vperm.xlane v3, v0;
	_ =	sdelay $0x1  }
0x152: {  	v4 =	vadd.s32 v1, v4;
	_ =	sdelay $0x3  }
0x153: {  	s10 =	simm.s32 $0x15100;
	v3 =	vperm.xlane v3, v2  }
0x154: {  	[tilespmem:s10], [sflag:$0x1] =	stream.indirect_vreg.gather [hbm4b:s3+s2], $0x80, v4, vm0, $0xb8;
	[tilespmem:$0x18100] =	vst v63  }
0x155: {  	s11 =	simm.s32 $0x15900;
	v3 =	vadd.s32 v1, v3  }
0x156: {  	[tilespmem:s11], [sflag:$0x1] =	stream.indirect_vreg.gather [hbm4b:s4+s2], $0x80, v4, vm0, $0xb8;
	[tilespmem:$0x18100] =	vst v63  }
0x157: {  	s12 =	simm.s32 $0x16100  }
0x158: {  	[tilespmem:s12], [sflag:$0x1] =	stream.indirect_vreg.gather [hbm4b:s5+s2], $0x80, v4, vm0, $0xb8;
	[tilespmem:$0x18100] =	vst v63  }
0x159: {  	s10 =	simm.s32 $0x16900  }
0x15a: {  	[tilespmem:s10], [sflag:$0x1] =	stream.indirect_vreg.gather [hbm4b:s3+s2], $0x80, v3, vm0, $0xb8;
	[tilespmem:$0x18100] =	vst v63  }
0x15b: {  	s11 =	simm.s32 $0x17100  }
0x15c: {  	[tilespmem:s11], [sflag:$0x1] =	stream.indirect_vreg.gather [hbm4b:s4+s2], $0x80, v3, vm0, $0xb8;
	[tilespmem:$0x18100] =	vst v63  }
0x15d: {  	s12 =	simm.s32 $0x17900  }
0x15e: {  	[tilespmem:s12], [sflag:$0x1] =	stream.indirect_vreg.gather [hbm4b:s5+s2], $0x80, v3, vm0, $0xb8;
	[tilespmem:$0x18100] =	vst v63  }
0x15f: {  	_ =	swait.ge [sflag:s9], $0xC000  }
0x160: {  	[sflag:s9] =	ssyncset.done $0x0  }
0x161: {  	s11 =	simm.s32 $0x100;
	s0 =	rddreg [dreg:$0x7];
	[sflag:s9] =	ssyncadd.s32 $0xFFFF4000  }
0x162: {  	[hbm4b:s0+s2] =	stream.linear.scatter [tilespmem:s11], [sflag:$0x2], $0xC000, $0x38;
	[tilespmem:$0x18100] =	vst v63  }
0x163: {  	_ =	swait.ge [sflag:s9], $0xC000  }
0x164: {  	[sflag:s9] =	ssyncset.done $0x0  }
0x165: {  	s12 =	rddreg [dreg:$0x8];
	[sflag:s9] =	ssyncadd.s32 $0xFFFF4000  }
0x166: {  	[hbm4b:s12+s2] =	stream.linear.scatter [tilespmem:s1], [sflag:$0x2], $0xC000, $0x38;
	[tilespmem:$0x18100] =	vst v63  }
0x167: {  	p0 =	sne.s32 s6, $0x1;
	_ =	swait.ge [sflag:s7], $0xC000  }
.Ltmp0:
0x168: {  	[sflag:s7] =	ssyncset.done $0x0;
	(pc) =	sbr.rel @p0 .LBB2_1-.Ltmp0, $4  }
0x169: {  	[sflag:s7] =	ssyncadd.s32 $0xFFFF4000  }
0x16a: {  	_ =	swait.ge [sflag:s7], $0xC000  }
0x16b: {  	[sflag:s7] =	ssyncset.done $0x0  }
0x16c: {  	s6 =	sadd.s32 $0xFFFFFFFF, s6;
	[sflag:s7] =	ssyncadd.s32 $0xFFFF4000  }
0x16d: {  	_ =	sfence.sel $0x180000  }
0x16e: {  	[bflag:$0x0] =	sbarrier.arrive $0xFFFF  }
0x16f: {  	_ =	strace $0x9000004D  }
0x170: {  	s0 =	stileid.u32;
	[bflag:$0x2] =	sbarrier.arrive $0xFFFF  }
0x171: {  	p0 =	sne.s32 s0, $0x0;
	s0 =	rddreg [dreg:$0x2]  }
0x172: {  	s0 =	sadd.s32 @!p0 $0x100000, s0  }
0x173: {  	[sflag:s0] =	ssyncadd.tile.s32 @!p0 $0x1;
	_ =	shalt  }
.Lfunc_end2:
_tile_overlayer_lowered:
.L_overlay_start_2:
0x174: {  	(tag) =	ssettag $0x2  }
0x175: {  	s0 =	rddreg [dreg:$0x0];
	s2 =	stileid.u32  }
0x176: {  	s1 =	rddreg [dreg:$0x1];
	p0 =	sne.s32 s2, $0x0  }
0x177: {  	s3 =	rddreg [dreg:$0x2];
	[bflag:$0x3] =	sbarrier.arrive $0xFFFF;
	s2 =	simm.s32 @!p0 $0x1C03  }
0x178: {  	[timem:s3], [sflag:s2] =	dma.local @!p0 [hbm:s0], s1  }
0x179: {  	s0 =	simm.s32 @!p0 $0x3  }
0x17a: {  	_ =	swait.ge @!p0 [sflag:s0], s1  }
0x17b: {  	s1 =	ssub.s32 @!p0 $0x0, s1;
	[sflag:s0] =	ssyncset.done @!p0 $0x0  }
0x17c: {  	[sflag:s0] =	ssyncadd.s32 @!p0 s1  }
0x17d: {  	[bflag:$0x3] =	sbarrier.arrive $0xFFFF  }
0x17e: {  	_ =	shalt  }

</sc_bundles>
